<compile_context>
chip_gen: v7x
topology: tpu7x:2x2x1
jax: 0.10.2.dev20260603
libtpu: 0.0.44.dev20260713+nightly
codegen_flags: <defaults>
</compile_context>

<pallas_src>
import functools

import jax
import jax.numpy as jnp
from jax import lax
from jax.experimental import pallas as pl
from jax.experimental.pallas import tpu as pltpu
from jax.experimental.pallas import tpu_sc as plsc

B = 4
S = 8192
D = 768
NSPANS = 2048

NC = 2
NS = 16
NW = NC * NS
SPANS_PER_W = B * NSPANS // NW
ROWS_PER_W = 2 * SPANS_PER_W
CHUNK = 32
NCHUNK = SPANS_PER_W // CHUNK
RING = 2
LANES = 16
W_PER_BATCH = NW // B

_mesh = plsc.VectorSubcoreMesh(core_axis_name="c", subcore_axis_name="s")


@functools.partial(
    pl.kernel,
    mesh=_mesh,
    out_type=jax.ShapeDtypeStruct((B, NSPANS, 2 * D), jnp.float32),
    scratch_types=(
        [pltpu.VMEM((ROWS_PER_W,), jnp.int32)]
        + [pltpu.VMEM((2 * CHUNK, D), jnp.float32) for _ in range(RING)]
        + [pltpu.SemaphoreType.DMA, pltpu.SemaphoreType.DMA]
    ),
)
def _span_gather(table_hbm, idx_hbm, out_hbm, idx_v, *rest):
    bufs = rest[:RING]
    gsem, wsem = rest[RING], rest[RING + 1]

    wid = lax.axis_index("s") * NC + lax.axis_index("c")
    b = wid // W_PER_BATCH
    s0 = (wid % W_PER_BATCH) * SPANS_PER_W

    pltpu.sync_copy(idx_hbm.at[pl.ds(wid * ROWS_PER_W, ROWS_PER_W)], idx_v)

    gcp = [None] * RING
    wS = [None] * RING
    wE = [None] * RING

    def start_gather(g, slot):
        gcp[slot] = pltpu.async_copy(
            table_hbm.at[idx_v.at[pl.ds(g * 2 * CHUNK, 2 * CHUNK)]],
            bufs[slot], gsem)

    for g in range(min(RING - 1, NCHUNK)):
        start_gather(g, g)
    for g in range(NCHUNK):
        slot = g % RING
        if g + RING - 1 < NCHUNK:
            nslot = (g + RING - 1) % RING
            if wS[nslot] is not None:
                wS[nslot].wait()
                wE[nslot].wait()
            start_gather(g + RING - 1, nslot)
        gcp[slot].wait()
        row = pl.ds(s0 + g * CHUNK, CHUNK)
        wS[slot] = pltpu.async_copy(
            bufs[slot].at[pl.ds(0, CHUNK)],
            out_hbm.at[b, row, pl.ds(0, D)], wsem)
        wE[slot] = pltpu.async_copy(
            bufs[slot].at[pl.ds(CHUNK, CHUNK)],
            out_hbm.at[b, row, pl.ds(D, D)], wsem)
    for slot in range(RING):
        if wS[slot] is not None:
            wS[slot].wait()
            wE[slot].wait()


def kernel(sequence_tensor, span_indices):
    table = sequence_tensor.reshape(B * S, D)
    offs = (jnp.arange(B, dtype=span_indices.dtype) * S).reshape(B, 1, 1)
    flat = (span_indices + offs).reshape(NW, NCHUNK, CHUNK, 2)
    idx = jnp.swapaxes(flat, 2, 3).reshape(-1)
    return _span_gather(table, idx)

# --- scband reference (transcript-rebuilt; emitter-appended) ---
"""Pipeline reference for scband-endpoint-span-extractor-64501818851467 (READ-ONLY COPY).

The authoritative reference and input builder live on the scoring server;
editing this copy changes nothing except your own understanding.
"""

import jax, jax.numpy as jnp
import numpy as np


def _batched_index_select(target, indices):
    # target: [B, S, D]; indices: [B, ...] indexing into S
    batch_size, seq_len, emb = target.shape
    offsets = jnp.arange(batch_size, dtype=indices.dtype) * seq_len
    offsets = offsets.reshape((batch_size,) + (1,) * (indices.ndim - 1))
    flat_idx = (indices + offsets).reshape(-1)
    flat_target = target.reshape(-1, emb)
    selected = jnp.take(flat_target, flat_idx, axis=0)
    return selected.reshape(indices.shape + (emb,))


def setup_inputs(seed: int = 0):
    key = jax.random.key(seed)
    k1, k2 = jax.random.split(key)
    sequence_tensor = jax.random.normal(k1, (4, 8192, 768), dtype=jnp.float32)
    span_indices = jax.random.randint(k2, (4, 2048, 2), 0, 8192, dtype=jnp.int32)
    return {"sequence_tensor": sequence_tensor, "span_indices": span_indices}


def reference(sequence_tensor, span_indices):
    # EndpointSpanExtractor with combination="x,y" and no width embeddings.
    start_indices = span_indices[..., 0]  # [B, num_spans]
    end_indices = span_indices[..., 1]    # [B, num_spans]
    start_embeddings = _batched_index_select(sequence_tensor, start_indices)
    end_embeddings = _batched_index_select(sequence_tensor, end_indices)
    # combine_tensors("x,y", [start, end]) == concat along last dim
    combined = jnp.concatenate([start_embeddings, end_embeddings], axis=-1)
    return combined

if __name__ == "__main__":
    import jax
    _d = setup_inputs()
    print(jax.jit(kernel)(*tuple(_d.values())))

</pallas_src>

<mosaic_0001>
#map = affine_map<(d0, d1) -> (0, 0)>
#map1 = affine_map<(d0, d1) -> (0)>
#map2 = affine_map<(d0, d1) -> (0, 0, 0)>
module attributes {stable_mosaic.version = 14 : i64} {
  func.func @_span_gather(%arg0: i32, %arg1: i32, %arg2: memref<32768x768xf32, #tpu.memory_space<hbm>>, %arg3: memref<16384xi32, #tpu.memory_space<hbm>>, %arg4: memref<4x2048x1536xf32, #tpu.memory_space<hbm>>, %arg5: memref<512xi32, #tpu.memory_space<vmem>>, %arg6: memref<64x768xf32, #tpu.memory_space<vmem>>, %arg7: memref<64x768xf32, #tpu.memory_space<vmem>>, %arg8: memref<!tpu.dma_semaphore, #tpu.memory_space<semaphore_mem>>, %arg9: memref<!tpu.dma_semaphore, #tpu.memory_space<semaphore_mem>>) attributes {dimension_semantics = [#tpu.dimension_semantics<core_parallel>, #tpu.dimension_semantics<subcore_parallel>], iteration_bounds = array<i64: 2, 16>, scalar_prefetch = 0 : i64, scratch_operands = 5 : i64, tpu.core_type = #tpu.core_type<sc_vector_subcore>, window_params = [{transform_indices = #map}, {transform_indices = #map1}, {transform_indices = #map2}]} {
    %mul3A = arith.constant 2 : i32
    %mul3A_0 = arith.muli %arg1, %mul3A : i32
    %add3A = arith.addi %mul3A_0, %arg0 : i32
    %jit3A = arith.constant 8 : i32
    %div3A = arith.divsi %add3A, %jit3A : i32
    %sign3A = arith.constant 0 : i32
    %sign3A_1 = arith.cmpi sgt, %add3A, %sign3A : i32
    %sign3A_2 = arith.extui %sign3A_1 : i1 to i32
    %sign3A_3 = arith.constant 0 : i32
    %sign3A_4 = arith.cmpi slt, %add3A, %sign3A_3 : i32
    %sign3A_5 = arith.extui %sign3A_4 : i1 to i32
    %sign3A_6 = arith.subi %sign3A_2, %sign3A_5 : i32
    %sign3A_7 = arith.constant 0 : i32
    %sign3A_8 = arith.cmpi sgt, %jit3A, %sign3A_7 : i32
    %sign3A_9 = arith.extui %sign3A_8 : i1 to i32
    %sign3A_10 = arith.constant 0 : i32
    %sign3A_11 = arith.cmpi slt, %jit3A, %sign3A_10 : i32
    %sign3A_12 = arith.extui %sign3A_11 : i1 to i32
    %sign3A_13 = arith.subi %sign3A_9, %sign3A_12 : i32
    %ne3A = arith.cmpi ne, %sign3A_6, %sign3A_13 : i32
    %rem3A = arith.remsi %add3A, %jit3A : i32
    %ne3A_14 = arith.constant 0 : i32
    %ne3A_15 = arith.cmpi ne, %rem3A, %ne3A_14 : i32
    %and3A = arith.andi %ne3A, %ne3A_15 : i1
    %sub3A = arith.constant 1 : i32
    %sub3A_16 = arith.subi %div3A, %sub3A : i32
    %select_n3A = arith.select %and3A, %sub3A_16, %div3A : i32
    %jit3A_17 = arith.constant 8 : i32
    %eq3A = arith.constant 0 : i32
    %eq3A_18 = arith.cmpi eq, %jit3A_17, %eq3A : i32
    %jit3A_19 = arith.constant 1 : i32
    %select_n3A_20 = arith.select %eq3A_18, %jit3A_19, %jit3A_17 : i32
    %rem3A_21 = arith.remsi %add3A, %select_n3A_20 : i32
    %ne3A_22 = arith.constant 0 : i32
    %ne3A_23 = arith.cmpi ne, %rem3A_21, %ne3A_22 : i32
    %lt3A = arith.constant 0 : i32
    %lt3A_24 = arith.cmpi slt, %rem3A_21, %lt3A : i32
    %lt3A_25 = arith.constant 0 : i32
    %lt3A_26 = arith.cmpi slt, %select_n3A_20, %lt3A_25 : i32
    %ne3A_27 = arith.xori %lt3A_24, %lt3A_26 : i1
    %and3A_28 = arith.andi %ne3A_27, %ne3A_23 : i1
    %add3A_29 = arith.addi %rem3A_21, %select_n3A_20 : i32
    %select_n3A_30 = arith.select %and3A_28, %add3A_29, %rem3A_21 : i32
    %mul3A_31 = arith.constant 256 : i32
    %mul3A_32 = arith.muli %select_n3A_30, %mul3A_31 : i32
    %mul3A_33 = arith.constant 512 : i32
    %mul3A_34 = arith.muli %add3A, %mul3A_33 : i32
    "tpu.region"() ({
      %run_scoped3A = tpu.sem_alloc : memref<!tpu.dma_semaphore, #tpu.memory_space<semaphore_mem>>
      %dma_start3A_513 = tpu.memref_slice %arg3[%mul3A_34] : memref<16384xi32, #tpu.memory_space<hbm>> -> memref<512xi32, #tpu.memory_space<hbm>>
      %dma_start3A_514 = tpu.memref_slice %arg3[%mul3A_34] : memref<16384xi32, #tpu.memory_space<hbm>> -> memref<512xi32, #tpu.memory_space<hbm>>
      tpu.enqueue_dma source(%dma_start3A_514 : memref<512xi32, #tpu.memory_space<hbm>>) target(%arg5 : memref<512xi32, #tpu.memory_space<vmem>>) target_semaphore(%run_scoped3A : memref<!tpu.dma_semaphore, #tpu.memory_space<semaphore_mem>>)
      %dma_wait3A_515 = tpu.memref_slice %arg3[%mul3A_34] : memref<16384xi32, #tpu.memory_space<hbm>> -> memref<512xi32, #tpu.memory_space<hbm>>
      %dma_wait3A_516 = tpu.memref_slice %arg3[%mul3A_34] : memref<16384xi32, #tpu.memory_space<hbm>> -> memref<512xi32, #tpu.memory_space<hbm>>
      tpu.wait_dma2 semaphore(%run_scoped3A : memref<!tpu.dma_semaphore, #tpu.memory_space<semaphore_mem>>) src(%dma_wait3A_516 : memref<512xi32, #tpu.memory_space<hbm>>) dst(%arg5 : memref<512xi32, #tpu.memory_space<vmem>>)
      tpu.yield
    }) : () -> ()
    %dma_start3A = arith.constant 0 : i32
    %dma_start3A_35 = tpu.memref_slice %arg5[%dma_start3A] : memref<512xi32, #tpu.memory_space<vmem>> -> memref<64xi32, #tpu.memory_space<vmem>>
    %dma_start3A_36 = arith.constant 0 : i32
    %dma_start3A_37 = arith.constant 0 : i32
    %dma_start3A_38 = tpu.memref_slice %arg2[%dma_start3A_36, %dma_start3A_37] : memref<32768x768xf32, #tpu.memory_space<hbm>> -> memref<32768x768xf32, #tpu.memory_space<hbm>>
    tpu.enqueue_indirect_dma source(%dma_start3A_38 : memref<32768x768xf32, #tpu.memory_space<hbm>>) target(%arg6 : memref<64x768xf32, #tpu.memory_space<vmem>>) offsets(%dma_start3A_35 : memref<64xi32, #tpu.memory_space<vmem>>) semaphore(%arg8 : memref<!tpu.dma_semaphore, #tpu.memory_space<semaphore_mem>>)
    %dma_start3A_39 = arith.constant 64 : i32
    %dma_start3A_40 = tpu.memref_slice %arg5[%dma_start3A_39] : memref<512xi32, #tpu.memory_space<vmem>> -> memref<64xi32, #tpu.memory_space<vmem>>
    %dma_start3A_41 = arith.constant 0 : i32
    %dma_start3A_42 = arith.constant 0 : i32
    %dma_start3A_43 = tpu.memref_slice %arg2[%dma_start3A_41, %dma_start3A_42] : memref<32768x768xf32, #tpu.memory_space<hbm>> -> memref<32768x768xf32, #tpu.memory_space<hbm>>
    tpu.enqueue_indirect_dma source(%dma_start3A_43 : memref<32768x768xf32, #tpu.memory_space<hbm>>) target(%arg7 : memref<64x768xf32, #tpu.memory_space<vmem>>) offsets(%dma_start3A_40 : memref<64xi32, #tpu.memory_space<vmem>>) semaphore(%arg8 : memref<!tpu.dma_semaphore, #tpu.memory_space<semaphore_mem>>)
    %dma_wait3A = arith.constant 0 : i32
    %dma_wait3A_44 = tpu.memref_slice %arg5[%dma_wait3A] : memref<512xi32, #tpu.memory_space<vmem>> -> memref<64xi32, #tpu.memory_space<vmem>>
    %dma_wait3A_45 = arith.constant 0 : i32
    %dma_wait3A_46 = arith.constant 0 : i32
    %dma_wait3A_47 = tpu.memref_slice %arg2[%dma_wait3A_45, %dma_wait3A_46] : memref<32768x768xf32, #tpu.memory_space<hbm>> -> memref<32768x768xf32, #tpu.memory_space<hbm>>
    tpu.wait_indirect_dma semaphore(%arg8 : memref<!tpu.dma_semaphore, #tpu.memory_space<semaphore_mem>>) src(%dma_wait3A_47 : memref<32768x768xf32, #tpu.memory_space<hbm>>) dst(%arg6 : memref<64x768xf32, #tpu.memory_space<vmem>>)
    %add3A_48 = arith.constant 0 : i32
    %add3A_49 = arith.addi %mul3A_32, %add3A_48 : i32
    %dma_start3A_50 = arith.constant 0 : i32
    %dma_start3A_51 = arith.constant 0 : i32
    %dma_start3A_52 = tpu.memref_slice %arg6[%dma_start3A_50, %dma_start3A_51] : memref<64x768xf32, #tpu.memory_space<vmem>> -> memref<32x768xf32, #tpu.memory_space<vmem>>
    %dma_start3A_53 = arith.constant 0 : i32
    %dma_start3A_54 = tpu.memref_slice %arg4[%select_n3A, %add3A_49, %dma_start3A_53] : memref<4x2048x1536xf32, #tpu.memory_space<hbm>> -> memref<1x32x768xf32, #tpu.memory_space<hbm>>
    %dma_start3A_55 = tpu.memref_squeeze %dma_start3A_54 : memref<1x32x768xf32, #tpu.memory_space<hbm>> -> memref<32x768xf32, #tpu.memory_space<hbm>>
    %dma_start3A_56 = arith.constant 0 : i32
    %dma_start3A_57 = tpu.memref_slice %arg4[%select_n3A, %add3A_49, %dma_start3A_56] : memref<4x2048x1536xf32, #tpu.memory_space<hbm>> -> memref<1x32x768xf32, #tpu.memory_space<hbm>>
    %dma_start3A_58 = tpu.memref_squeeze %dma_start3A_57 : memref<1x32x768xf32, #tpu.memory_space<hbm>> -> memref<32x768xf32, #tpu.memory_space<hbm>>
    %dma_start3A_59 = arith.constant 0 : i32
    %dma_start3A_60 = arith.constant 0 : i32
    %dma_start3A_61 = tpu.memref_slice %arg6[%dma_start3A_59, %dma_start3A_60] : memref<64x768xf32, #tpu.memory_space<vmem>> -> memref<32x768xf32, #tpu.memory_space<vmem>>
    tpu.enqueue_dma source(%dma_start3A_61 : memref<32x768xf32, #tpu.memory_space<vmem>>) target(%dma_start3A_58 : memref<32x768xf32, #tpu.memory_space<hbm>>) target_semaphore(%arg9 : memref<!tpu.dma_semaphore, #tpu.memory_space<semaphore_mem>>)
    %dma_start3A_62 = arith.constant 32 : i32
    %dma_start3A_63 = arith.constant 0 : i32
    %dma_start3A_64 = tpu.memref_slice %arg6[%dma_start3A_62, %dma_start3A_63] : memref<64x768xf32, #tpu.memory_space<vmem>> -> memref<32x768xf32, #tpu.memory_space<vmem>>
    %dma_start3A_65 = arith.constant 768 : i32
    %dma_start3A_66 = tpu.memref_slice %arg4[%select_n3A, %add3A_49, %dma_start3A_65] : memref<4x2048x1536xf32, #tpu.memory_space<hbm>> -> memref<1x32x768xf32, #tpu.memory_space<hbm>>
    %dma_start3A_67 = tpu.memref_squeeze %dma_start3A_66 : memref<1x32x768xf32, #tpu.memory_space<hbm>> -> memref<32x768xf32, #tpu.memory_space<hbm>>
    %dma_start3A_68 = arith.constant 768 : i32
    %dma_start3A_69 = tpu.memref_slice %arg4[%select_n3A, %add3A_49, %dma_start3A_68] : memref<4x2048x1536xf32, #tpu.memory_space<hbm>> -> memref<1x32x768xf32, #tpu.memory_space<hbm>>
    %dma_start3A_70 = tpu.memref_squeeze %dma_start3A_69 : memref<1x32x768xf32, #tpu.memory_space<hbm>> -> memref<32x768xf32, #tpu.memory_space<hbm>>
    %dma_start3A_71 = arith.constant 32 : i32
    %dma_start3A_72 = arith.constant 0 : i32
    %dma_start3A_73 = tpu.memref_slice %arg6[%dma_start3A_71, %dma_start3A_72] : memref<64x768xf32, #tpu.memory_space<vmem>> -> memref<32x768xf32, #tpu.memory_space<vmem>>
    tpu.enqueue_dma source(%dma_start3A_73 : memref<32x768xf32, #tpu.memory_space<vmem>>) target(%dma_start3A_70 : memref<32x768xf32, #tpu.memory_space<hbm>>) target_semaphore(%arg9 : memref<!tpu.dma_semaphore, #tpu.memory_space<semaphore_mem>>)
    %dma_wait3A_74 = arith.constant 0 : i32
    %dma_wait3A_75 = arith.constant 0 : i32
    %dma_wait3A_76 = tpu.memref_slice %arg6[%dma_wait3A_74, %dma_wait3A_75] : memref<64x768xf32, #tpu.memory_space<vmem>> -> memref<32x768xf32, #tpu.memory_space<vmem>>
    %dma_wait3A_77 = arith.constant 0 : i32
    %dma_wait3A_78 = tpu.memref_slice %arg4[%select_n3A, %add3A_49, %dma_wait3A_77] : memref<4x2048x1536xf32, #tpu.memory_space<hbm>> -> memref<1x32x768xf32, #tpu.memory_space<hbm>>
    %dma_wait3A_79 = tpu.memref_squeeze %dma_wait3A_78 : memref<1x32x768xf32, #tpu.memory_space<hbm>> -> memref<32x768xf32, #tpu.memory_space<hbm>>
    %dma_wait3A_80 = arith.constant 0 : i32
    %dma_wait3A_81 = tpu.memref_slice %arg4[%select_n3A, %add3A_49, %dma_wait3A_80] : memref<4x2048x1536xf32, #tpu.memory_space<hbm>> -> memref<1x32x768xf32, #tpu.memory_space<hbm>>
    %dma_wait3A_82 = tpu.memref_squeeze %dma_wait3A_81 : memref<1x32x768xf32, #tpu.memory_space<hbm>> -> memref<32x768xf32, #tpu.memory_space<hbm>>
    %dma_wait3A_83 = arith.constant 0 : i32
    %dma_wait3A_84 = arith.constant 0 : i32
    %dma_wait3A_85 = tpu.memref_slice %arg6[%dma_wait3A_83, %dma_wait3A_84] : memref<64x768xf32, #tpu.memory_space<vmem>> -> memref<32x768xf32, #tpu.memory_space<vmem>>
    tpu.wait_dma2 semaphore(%arg9 : memref<!tpu.dma_semaphore, #tpu.memory_space<semaphore_mem>>) src(%dma_wait3A_85 : memref<32x768xf32, #tpu.memory_space<vmem>>) dst(%dma_wait3A_82 : memref<32x768xf32, #tpu.memory_space<hbm>>)
    %dma_wait3A_86 = arith.constant 32 : i32
    %dma_wait3A_87 = arith.constant 0 : i32
    %dma_wait3A_88 = tpu.memref_slice %arg6[%dma_wait3A_86, %dma_wait3A_87] : memref<64x768xf32, #tpu.memory_space<vmem>> -> memref<32x768xf32, #tpu.memory_space<vmem>>
    %dma_wait3A_89 = arith.constant 768 : i32
    %dma_wait3A_90 = tpu.memref_slice %arg4[%select_n3A, %add3A_49, %dma_wait3A_89] : memref<4x2048x1536xf32, #tpu.memory_space<hbm>> -> memref<1x32x768xf32, #tpu.memory_space<hbm>>
    %dma_wait3A_91 = tpu.memref_squeeze %dma_wait3A_90 : memref<1x32x768xf32, #tpu.memory_space<hbm>> -> memref<32x768xf32, #tpu.memory_space<hbm>>
    %dma_wait3A_92 = arith.constant 768 : i32
    %dma_wait3A_93 = tpu.memref_slice %arg4[%select_n3A, %add3A_49, %dma_wait3A_92] : memref<4x2048x1536xf32, #tpu.memory_space<hbm>> -> memref<1x32x768xf32, #tpu.memory_space<hbm>>
    %dma_wait3A_94 = tpu.memref_squeeze %dma_wait3A_93 : memref<1x32x768xf32, #tpu.memory_space<hbm>> -> memref<32x768xf32, #tpu.memory_space<hbm>>
    %dma_wait3A_95 = arith.constant 32 : i32
    %dma_wait3A_96 = arith.constant 0 : i32
    %dma_wait3A_97 = tpu.memref_slice %arg6[%dma_wait3A_95, %dma_wait3A_96] : memref<64x768xf32, #tpu.memory_space<vmem>> -> memref<32x768xf32, #tpu.memory_space<vmem>>
    tpu.wait_dma2 semaphore(%arg9 : memref<!tpu.dma_semaphore, #tpu.memory_space<semaphore_mem>>) src(%dma_wait3A_97 : memref<32x768xf32, #tpu.memory_space<vmem>>) dst(%dma_wait3A_94 : memref<32x768xf32, #tpu.memory_space<hbm>>)
    %dma_start3A_98 = arith.constant 128 : i32
    %dma_start3A_99 = tpu.memref_slice %arg5[%dma_start3A_98] : memref<512xi32, #tpu.memory_space<vmem>> -> memref<64xi32, #tpu.memory_space<vmem>>
    %dma_start3A_100 = arith.constant 0 : i32
    %dma_start3A_101 = arith.constant 0 : i32
    %dma_start3A_102 = tpu.memref_slice %arg2[%dma_start3A_100, %dma_start3A_101] : memref<32768x768xf32, #tpu.memory_space<hbm>> -> memref<32768x768xf32, #tpu.memory_space<hbm>>
    tpu.enqueue_indirect_dma source(%dma_start3A_102 : memref<32768x768xf32, #tpu.memory_space<hbm>>) target(%arg6 : memref<64x768xf32, #tpu.memory_space<vmem>>) offsets(%dma_start3A_99 : memref<64xi32, #tpu.memory_space<vmem>>) semaphore(%arg8 : memref<!tpu.dma_semaphore, #tpu.memory_space<semaphore_mem>>)
    %dma_wait3A_103 = arith.constant 64 : i32
    %dma_wait3A_104 = tpu.memref_slice %arg5[%dma_wait3A_103] : memref<512xi32, #tpu.memory_space<vmem>> -> memref<64xi32, #tpu.memory_space<vmem>>
    %dma_wait3A_105 = arith.constant 0 : i32
    %dma_wait3A_106 = arith.constant 0 : i32
    %dma_wait3A_107 = tpu.memref_slice %arg2[%dma_wait3A_105, %dma_wait3A_106] : memref<32768x768xf32, #tpu.memory_space<hbm>> -> memref<32768x768xf32, #tpu.memory_space<hbm>>
    tpu.wait_indirect_dma semaphore(%arg8 : memref<!tpu.dma_semaphore, #tpu.memory_space<semaphore_mem>>) src(%dma_wait3A_107 : memref<32768x768xf32, #tpu.memory_space<hbm>>) dst(%arg7 : memref<64x768xf32, #tpu.memory_space<vmem>>)
    %add3A_108 = arith.constant 32 : i32
    %add3A_109 = arith.addi %mul3A_32, %add3A_108 : i32
    %dma_start3A_110 = arith.constant 0 : i32
    %dma_start3A_111 = arith.constant 0 : i32
    %dma_start3A_112 = tpu.memref_slice %arg7[%dma_start3A_110, %dma_start3A_111] : memref<64x768xf32, #tpu.memory_space<vmem>> -> memref<32x768xf32, #tpu.memory_space<vmem>>
    %dma_start3A_113 = arith.constant 0 : i32
    %dma_start3A_114 = tpu.memref_slice %arg4[%select_n3A, %add3A_109, %dma_start3A_113] : memref<4x2048x1536xf32, #tpu.memory_space<hbm>> -> memref<1x32x768xf32, #tpu.memory_space<hbm>>
    %dma_start3A_115 = tpu.memref_squeeze %dma_start3A_114 : memref<1x32x768xf32, #tpu.memory_space<hbm>> -> memref<32x768xf32, #tpu.memory_space<hbm>>
    %dma_start3A_116 = arith.constant 0 : i32
    %dma_start3A_117 = tpu.memref_slice %arg4[%select_n3A, %add3A_109, %dma_start3A_116] : memref<4x2048x1536xf32, #tpu.memory_space<hbm>> -> memref<1x32x768xf32, #tpu.memory_space<hbm>>
    %dma_start3A_118 = tpu.memref_squeeze %dma_start3A_117 : memref<1x32x768xf32, #tpu.memory_space<hbm>> -> memref<32x768xf32, #tpu.memory_space<hbm>>
    %dma_start3A_119 = arith.constant 0 : i32
    %dma_start3A_120 = arith.constant 0 : i32
    %dma_start3A_121 = tpu.memref_slice %arg7[%dma_start3A_119, %dma_start3A_120] : memref<64x768xf32, #tpu.memory_space<vmem>> -> memref<32x768xf32, #tpu.memory_space<vmem>>
    tpu.enqueue_dma source(%dma_start3A_121 : memref<32x768xf32, #tpu.memory_space<vmem>>) target(%dma_start3A_118 : memref<32x768xf32, #tpu.memory_space<hbm>>) target_semaphore(%arg9 : memref<!tpu.dma_semaphore, #tpu.memory_space<semaphore_mem>>)
    %dma_start3A_122 = arith.constant 32 : i32
    %dma_start3A_123 = arith.constant 0 : i32
    %dma_start3A_124 = tpu.memref_slice %arg7[%dma_start3A_122, %dma_start3A_123] : memref<64x768xf32, #tpu.memory_space<vmem>> -> memref<32x768xf32, #tpu.memory_space<vmem>>
    %dma_start3A_125 = arith.constant 768 : i32
    %dma_start3A_126 = tpu.memref_slice %arg4[%select_n3A, %add3A_109, %dma_start3A_125] : memref<4x2048x1536xf32, #tpu.memory_space<hbm>> -> memref<1x32x768xf32, #tpu.memory_space<hbm>>
    %dma_start3A_127 = tpu.memref_squeeze %dma_start3A_126 : memref<1x32x768xf32, #tpu.memory_space<hbm>> -> memref<32x768xf32, #tpu.memory_space<hbm>>
    %dma_start3A_128 = arith.constant 768 : i32
    %dma_start3A_129 = tpu.memref_slice %arg4[%select_n3A, %add3A_109, %dma_start3A_128] : memref<4x2048x1536xf32, #tpu.memory_space<hbm>> -> memref<1x32x768xf32, #tpu.memory_space<hbm>>
    %dma_start3A_130 = tpu.memref_squeeze %dma_start3A_129 : memref<1x32x768xf32, #tpu.memory_space<hbm>> -> memref<32x768xf32, #tpu.memory_space<hbm>>
    %dma_start3A_131 = arith.constant 32 : i32
    %dma_start3A_132 = arith.constant 0 : i32
    %dma_start3A_133 = tpu.memref_slice %arg7[%dma_start3A_131, %dma_start3A_132] : memref<64x768xf32, #tpu.memory_space<vmem>> -> memref<32x768xf32, #tpu.memory_space<vmem>>
    tpu.enqueue_dma source(%dma_start3A_133 : memref<32x768xf32, #tpu.memory_space<vmem>>) target(%dma_start3A_130 : memref<32x768xf32, #tpu.memory_space<hbm>>) target_semaphore(%arg9 : memref<!tpu.dma_semaphore, #tpu.memory_space<semaphore_mem>>)
    %dma_wait3A_134 = arith.constant 0 : i32
    %dma_wait3A_135 = arith.constant 0 : i32
    %dma_wait3A_136 = tpu.memref_slice %arg7[%dma_wait3A_134, %dma_wait3A_135] : memref<64x768xf32, #tpu.memory_space<vmem>> -> memref<32x768xf32, #tpu.memory_space<vmem>>
    %dma_wait3A_137 = arith.constant 0 : i32
    %dma_wait3A_138 = tpu.memref_slice %arg4[%select_n3A, %add3A_109, %dma_wait3A_137] : memref<4x2048x1536xf32, #tpu.memory_space<hbm>> -> memref<1x32x768xf32, #tpu.memory_space<hbm>>
    %dma_wait3A_139 = tpu.memref_squeeze %dma_wait3A_138 : memref<1x32x768xf32, #tpu.memory_space<hbm>> -> memref<32x768xf32, #tpu.memory_space<hbm>>
    %dma_wait3A_140 = arith.constant 0 : i32
    %dma_wait3A_141 = tpu.memref_slice %arg4[%select_n3A, %add3A_109, %dma_wait3A_140] : memref<4x2048x1536xf32, #tpu.memory_space<hbm>> -> memref<1x32x768xf32, #tpu.memory_space<hbm>>
    %dma_wait3A_142 = tpu.memref_squeeze %dma_wait3A_141 : memref<1x32x768xf32, #tpu.memory_space<hbm>> -> memref<32x768xf32, #tpu.memory_space<hbm>>
    %dma_wait3A_143 = arith.constant 0 : i32
    %dma_wait3A_144 = arith.constant 0 : i32
    %dma_wait3A_145 = tpu.memref_slice %arg7[%dma_wait3A_143, %dma_wait3A_144] : memref<64x768xf32, #tpu.memory_space<vmem>> -> memref<32x768xf32, #tpu.memory_space<vmem>>
    tpu.wait_dma2 semaphore(%arg9 : memref<!tpu.dma_semaphore, #tpu.memory_space<semaphore_mem>>) src(%dma_wait3A_145 : memref<32x768xf32, #tpu.memory_space<vmem>>) dst(%dma_wait3A_142 : memref<32x768xf32, #tpu.memory_space<hbm>>)
    %dma_wait3A_146 = arith.constant 32 : i32
    %dma_wait3A_147 = arith.constant 0 : i32
    %dma_wait3A_148 = tpu.memref_slice %arg7[%dma_wait3A_146, %dma_wait3A_147] : memref<64x768xf32, #tpu.memory_space<vmem>> -> memref<32x768xf32, #tpu.memory_space<vmem>>
    %dma_wait3A_149 = arith.constant 768 : i32
    %dma_wait3A_150 = tpu.memref_slice %arg4[%select_n3A, %add3A_109, %dma_wait3A_149] : memref<4x2048x1536xf32, #tpu.memory_space<hbm>> -> memref<1x32x768xf32, #tpu.memory_space<hbm>>
    %dma_wait3A_151 = tpu.memref_squeeze %dma_wait3A_150 : memref<1x32x768xf32, #tpu.memory_space<hbm>> -> memref<32x768xf32, #tpu.memory_space<hbm>>
    %dma_wait3A_152 = arith.constant 768 : i32
    %dma_wait3A_153 = tpu.memref_slice %arg4[%select_n3A, %add3A_109, %dma_wait3A_152] : memref<4x2048x1536xf32, #tpu.memory_space<hbm>> -> memref<1x32x768xf32, #tpu.memory_space<hbm>>
    %dma_wait3A_154 = tpu.memref_squeeze %dma_wait3A_153 : memref<1x32x768xf32, #tpu.memory_space<hbm>> -> memref<32x768xf32, #tpu.memory_space<hbm>>
    %dma_wait3A_155 = arith.constant 32 : i32
    %dma_wait3A_156 = arith.constant 0 : i32
    %dma_wait3A_157 = tpu.memref_slice %arg7[%dma_wait3A_155, %dma_wait3A_156] : memref<64x768xf32, #tpu.memory_space<vmem>> -> memref<32x768xf32, #tpu.memory_space<vmem>>
    tpu.wait_dma2 semaphore(%arg9 : memref<!tpu.dma_semaphore, #tpu.memory_space<semaphore_mem>>) src(%dma_wait3A_157 : memref<32x768xf32, #tpu.memory_space<vmem>>) dst(%dma_wait3A_154 : memref<32x768xf32, #tpu.memory_space<hbm>>)
    %dma_start3A_158 = arith.constant 192 : i32
    %dma_start3A_159 = tpu.memref_slice %arg5[%dma_start3A_158] : memref<512xi32, #tpu.memory_space<vmem>> -> memref<64xi32, #tpu.memory_space<vmem>>
    %dma_start3A_160 = arith.constant 0 : i32
    %dma_start3A_161 = arith.constant 0 : i32
    %dma_start3A_162 = tpu.memref_slice %arg2[%dma_start3A_160, %dma_start3A_161] : memref<32768x768xf32, #tpu.memory_space<hbm>> -> memref<32768x768xf32, #tpu.memory_space<hbm>>
    tpu.enqueue_indirect_dma source(%dma_start3A_162 : memref<32768x768xf32, #tpu.memory_space<hbm>>) target(%arg7 : memref<64x768xf32, #tpu.memory_space<vmem>>) offsets(%dma_start3A_159 : memref<64xi32, #tpu.memory_space<vmem>>) semaphore(%arg8 : memref<!tpu.dma_semaphore, #tpu.memory_space<semaphore_mem>>)
    %dma_wait3A_163 = arith.constant 128 : i32
    %dma_wait3A_164 = tpu.memref_slice %arg5[%dma_wait3A_163] : memref<512xi32, #tpu.memory_space<vmem>> -> memref<64xi32, #tpu.memory_space<vmem>>
    %dma_wait3A_165 = arith.constant 0 : i32
    %dma_wait3A_166 = arith.constant 0 : i32
    %dma_wait3A_167 = tpu.memref_slice %arg2[%dma_wait3A_165, %dma_wait3A_166] : memref<32768x768xf32, #tpu.memory_space<hbm>> -> memref<32768x768xf32, #tpu.memory_space<hbm>>
    tpu.wait_indirect_dma semaphore(%arg8 : memref<!tpu.dma_semaphore, #tpu.memory_space<semaphore_mem>>) src(%dma_wait3A_167 : memref<32768x768xf32, #tpu.memory_space<hbm>>) dst(%arg6 : memref<64x768xf32, #tpu.memory_space<vmem>>)
    %add3A_168 = arith.constant 64 : i32
    %add3A_169 = arith.addi %mul3A_32, %add3A_168 : i32
    %dma_start3A_170 = arith.constant 0 : i32
    %dma_start3A_171 = arith.constant 0 : i32
    %dma_start3A_172 = tpu.memref_slice %arg6[%dma_start3A_170, %dma_start3A_171] : memref<64x768xf32, #tpu.memory_space<vmem>> -> memref<32x768xf32, #tpu.memory_space<vmem>>
    %dma_start3A_173 = arith.constant 0 : i32
    %dma_start3A_174 = tpu.memref_slice %arg4[%select_n3A, %add3A_169, %dma_start3A_173] : memref<4x2048x1536xf32, #tpu.memory_space<hbm>> -> memref<1x32x768xf32, #tpu.memory_space<hbm>>
    %dma_start3A_175 = tpu.memref_squeeze %dma_start3A_174 : memref<1x32x768xf32, #tpu.memory_space<hbm>> -> memref<32x768xf32, #tpu.memory_space<hbm>>
    %dma_start3A_176 = arith.constant 0 : i32
    %dma_start3A_177 = tpu.memref_slice %arg4[%select_n3A, %add3A_169, %dma_start3A_176] : memref<4x2048x1536xf32, #tpu.memory_space<hbm>> -> memref<1x32x768xf32, #tpu.memory_space<hbm>>
    %dma_start3A_178 = tpu.memref_squeeze %dma_start3A_177 : memref<1x32x768xf32, #tpu.memory_space<hbm>> -> memref<32x768xf32, #tpu.memory_space<hbm>>
    %dma_start3A_179 = arith.constant 0 : i32
    %dma_start3A_180 = arith.constant 0 : i32
    %dma_start3A_181 = tpu.memref_slice %arg6[%dma_start3A_179, %dma_start3A_180] : memref<64x768xf32, #tpu.memory_space<vmem>> -> memref<32x768xf32, #tpu.memory_space<vmem>>
    tpu.enqueue_dma source(%dma_start3A_181 : memref<32x768xf32, #tpu.memory_space<vmem>>) target(%dma_start3A_178 : memref<32x768xf32, #tpu.memory_space<hbm>>) target_semaphore(%arg9 : memref<!tpu.dma_semaphore, #tpu.memory_space<semaphore_mem>>)
    %dma_start3A_182 = arith.constant 32 : i32
    %dma_start3A_183 = arith.constant 0 : i32
    %dma_start3A_184 = tpu.memref_slice %arg6[%dma_start3A_182, %dma_start3A_183] : memref<64x768xf32, #tpu.memory_space<vmem>> -> memref<32x768xf32, #tpu.memory_space<vmem>>
    %dma_start3A_185 = arith.constant 768 : i32
    %dma_start3A_186 = tpu.memref_slice %arg4[%select_n3A, %add3A_169, %dma_start3A_185] : memref<4x2048x1536xf32, #tpu.memory_space<hbm>> -> memref<1x32x768xf32, #tpu.memory_space<hbm>>
    %dma_start3A_187 = tpu.memref_squeeze %dma_start3A_186 : memref<1x32x768xf32, #tpu.memory_space<hbm>> -> memref<32x768xf32, #tpu.memory_space<hbm>>
    %dma_start3A_188 = arith.constant 768 : i32
    %dma_start3A_189 = tpu.memref_slice %arg4[%select_n3A, %add3A_169, %dma_start3A_188] : memref<4x2048x1536xf32, #tpu.memory_space<hbm>> -> memref<1x32x768xf32, #tpu.memory_space<hbm>>
    %dma_start3A_190 = tpu.memref_squeeze %dma_start3A_189 : memref<1x32x768xf32, #tpu.memory_space<hbm>> -> memref<32x768xf32, #tpu.memory_space<hbm>>
    %dma_start3A_191 = arith.constant 32 : i32
    %dma_start3A_192 = arith.constant 0 : i32
    %dma_start3A_193 = tpu.memref_slice %arg6[%dma_start3A_191, %dma_start3A_192] : memref<64x768xf32, #tpu.memory_space<vmem>> -> memref<32x768xf32, #tpu.memory_space<vmem>>
    tpu.enqueue_dma source(%dma_start3A_193 : memref<32x768xf32, #tpu.memory_space<vmem>>) target(%dma_start3A_190 : memref<32x768xf32, #tpu.memory_space<hbm>>) target_semaphore(%arg9 : memref<!tpu.dma_semaphore, #tpu.memory_space<semaphore_mem>>)
    %dma_wait3A_194 = arith.constant 0 : i32
    %dma_wait3A_195 = arith.constant 0 : i32
    %dma_wait3A_196 = tpu.memref_slice %arg6[%dma_wait3A_194, %dma_wait3A_195] : memref<64x768xf32, #tpu.memory_space<vmem>> -> memref<32x768xf32, #tpu.memory_space<vmem>>
    %dma_wait3A_197 = arith.constant 0 : i32
    %dma_wait3A_198 = tpu.memref_slice %arg4[%select_n3A, %add3A_169, %dma_wait3A_197] : memref<4x2048x1536xf32, #tpu.memory_space<hbm>> -> memref<1x32x768xf32, #tpu.memory_space<hbm>>
    %dma_wait3A_199 = tpu.memref_squeeze %dma_wait3A_198 : memref<1x32x768xf32, #tpu.memory_space<hbm>> -> memref<32x768xf32, #tpu.memory_space<hbm>>
    %dma_wait3A_200 = arith.constant 0 : i32
    %dma_wait3A_201 = tpu.memref_slice %arg4[%select_n3A, %add3A_169, %dma_wait3A_200] : memref<4x2048x1536xf32, #tpu.memory_space<hbm>> -> memref<1x32x768xf32, #tpu.memory_space<hbm>>
    %dma_wait3A_202 = tpu.memref_squeeze %dma_wait3A_201 : memref<1x32x768xf32, #tpu.memory_space<hbm>> -> memref<32x768xf32, #tpu.memory_space<hbm>>
    %dma_wait3A_203 = arith.constant 0 : i32
    %dma_wait3A_204 = arith.constant 0 : i32
    %dma_wait3A_205 = tpu.memref_slice %arg6[%dma_wait3A_203, %dma_wait3A_204] : memref<64x768xf32, #tpu.memory_space<vmem>> -> memref<32x768xf32, #tpu.memory_space<vmem>>
    tpu.wait_dma2 semaphore(%arg9 : memref<!tpu.dma_semaphore, #tpu.memory_space<semaphore_mem>>) src(%dma_wait3A_205 : memref<32x768xf32, #tpu.memory_space<vmem>>) dst(%dma_wait3A_202 : memref<32x768xf32, #tpu.memory_space<hbm>>)
    %dma_wait3A_206 = arith.constant 32 : i32
    %dma_wait3A_207 = arith.constant 0 : i32
    %dma_wait3A_208 = tpu.memref_slice %arg6[%dma_wait3A_206, %dma_wait3A_207] : memref<64x768xf32, #tpu.memory_space<vmem>> -> memref<32x768xf32, #tpu.memory_space<vmem>>
    %dma_wait3A_209 = arith.constant 768 : i32
    %dma_wait3A_210 = tpu.memref_slice %arg4[%select_n3A, %add3A_169, %dma_wait3A_209] : memref<4x2048x1536xf32, #tpu.memory_space<hbm>> -> memref<1x32x768xf32, #tpu.memory_space<hbm>>
    %dma_wait3A_211 = tpu.memref_squeeze %dma_wait3A_210 : memref<1x32x768xf32, #tpu.memory_space<hbm>> -> memref<32x768xf32, #tpu.memory_space<hbm>>
    %dma_wait3A_212 = arith.constant 768 : i32
    %dma_wait3A_213 = tpu.memref_slice %arg4[%select_n3A, %add3A_169, %dma_wait3A_212] : memref<4x2048x1536xf32, #tpu.memory_space<hbm>> -> memref<1x32x768xf32, #tpu.memory_space<hbm>>
    %dma_wait3A_214 = tpu.memref_squeeze %dma_wait3A_213 : memref<1x32x768xf32, #tpu.memory_space<hbm>> -> memref<32x768xf32, #tpu.memory_space<hbm>>
    %dma_wait3A_215 = arith.constant 32 : i32
    %dma_wait3A_216 = arith.constant 0 : i32
    %dma_wait3A_217 = tpu.memref_slice %arg6[%dma_wait3A_215, %dma_wait3A_216] : memref<64x768xf32, #tpu.memory_space<vmem>> -> memref<32x768xf32, #tpu.memory_space<vmem>>
    tpu.wait_dma2 semaphore(%arg9 : memref<!tpu.dma_semaphore, #tpu.memory_space<semaphore_mem>>) src(%dma_wait3A_217 : memref<32x768xf32, #tpu.memory_space<vmem>>) dst(%dma_wait3A_214 : memref<32x768xf32, #tpu.memory_space<hbm>>)
    %dma_start3A_218 = arith.constant 256 : i32
    %dma_start3A_219 = tpu.memref_slice %arg5[%dma_start3A_218] : memref<512xi32, #tpu.memory_space<vmem>> -> memref<64xi32, #tpu.memory_space<vmem>>
    %dma_start3A_220 = arith.constant 0 : i32
    %dma_start3A_221 = arith.constant 0 : i32
    %dma_start3A_222 = tpu.memref_slice %arg2[%dma_start3A_220, %dma_start3A_221] : memref<32768x768xf32, #tpu.memory_space<hbm>> -> memref<32768x768xf32, #tpu.memory_space<hbm>>
    tpu.enqueue_indirect_dma source(%dma_start3A_222 : memref<32768x768xf32, #tpu.memory_space<hbm>>) target(%arg6 : memref<64x768xf32, #tpu.memory_space<vmem>>) offsets(%dma_start3A_219 : memref<64xi32, #tpu.memory_space<vmem>>) semaphore(%arg8 : memref<!tpu.dma_semaphore, #tpu.memory_space<semaphore_mem>>)
    %dma_wait3A_223 = arith.constant 192 : i32
    %dma_wait3A_224 = tpu.memref_slice %arg5[%dma_wait3A_223] : memref<512xi32, #tpu.memory_space<vmem>> -> memref<64xi32, #tpu.memory_space<vmem>>
    %dma_wait3A_225 = arith.constant 0 : i32
    %dma_wait3A_226 = arith.constant 0 : i32
    %dma_wait3A_227 = tpu.memref_slice %arg2[%dma_wait3A_225, %dma_wait3A_226] : memref<32768x768xf32, #tpu.memory_space<hbm>> -> memref<32768x768xf32, #tpu.memory_space<hbm>>
    tpu.wait_indirect_dma semaphore(%arg8 : memref<!tpu.dma_semaphore, #tpu.memory_space<semaphore_mem>>) src(%dma_wait3A_227 : memref<32768x768xf32, #tpu.memory_space<hbm>>) dst(%arg7 : memref<64x768xf32, #tpu.memory_space<vmem>>)
    %add3A_228 = arith.constant 96 : i32
    %add3A_229 = arith.addi %mul3A_32, %add3A_228 : i32
    %dma_start3A_230 = arith.constant 0 : i32
    %dma_start3A_231 = arith.constant 0 : i32
    %dma_start3A_232 = tpu.memref_slice %arg7[%dma_start3A_230, %dma_start3A_231] : memref<64x768xf32, #tpu.memory_space<vmem>> -> memref<32x768xf32, #tpu.memory_space<vmem>>
    %dma_start3A_233 = arith.constant 0 : i32
    %dma_start3A_234 = tpu.memref_slice %arg4[%select_n3A, %add3A_229, %dma_start3A_233] : memref<4x2048x1536xf32, #tpu.memory_space<hbm>> -> memref<1x32x768xf32, #tpu.memory_space<hbm>>
    %dma_start3A_235 = tpu.memref_squeeze %dma_start3A_234 : memref<1x32x768xf32, #tpu.memory_space<hbm>> -> memref<32x768xf32, #tpu.memory_space<hbm>>
    %dma_start3A_236 = arith.constant 0 : i32
    %dma_start3A_237 = tpu.memref_slice %arg4[%select_n3A, %add3A_229, %dma_start3A_236] : memref<4x2048x1536xf32, #tpu.memory_space<hbm>> -> memref<1x32x768xf32, #tpu.memory_space<hbm>>
    %dma_start3A_238 = tpu.memref_squeeze %dma_start3A_237 : memref<1x32x768xf32, #tpu.memory_space<hbm>> -> memref<32x768xf32, #tpu.memory_space<hbm>>
    %dma_start3A_239 = arith.constant 0 : i32
    %dma_start3A_240 = arith.constant 0 : i32
    %dma_start3A_241 = tpu.memref_slice %arg7[%dma_start3A_239, %dma_start3A_240] : memref<64x768xf32, #tpu.memory_space<vmem>> -> memref<32x768xf32, #tpu.memory_space<vmem>>
    tpu.enqueue_dma source(%dma_start3A_241 : memref<32x768xf32, #tpu.memory_space<vmem>>) target(%dma_start3A_238 : memref<32x768xf32, #tpu.memory_space<hbm>>) target_semaphore(%arg9 : memref<!tpu.dma_semaphore, #tpu.memory_space<semaphore_mem>>)
    %dma_start3A_242 = arith.constant 32 : i32
    %dma_start3A_243 = arith.constant 0 : i32
    %dma_start3A_244 = tpu.memref_slice %arg7[%dma_start3A_242, %dma_start3A_243] : memref<64x768xf32, #tpu.memory_space<vmem>> -> memref<32x768xf32, #tpu.memory_space<vmem>>
    %dma_start3A_245 = arith.constant 768 : i32
    %dma_start3A_246 = tpu.memref_slice %arg4[%select_n3A, %add3A_229, %dma_start3A_245] : memref<4x2048x1536xf32, #tpu.memory_space<hbm>> -> memref<1x32x768xf32, #tpu.memory_space<hbm>>
    %dma_start3A_247 = tpu.memref_squeeze %dma_start3A_246 : memref<1x32x768xf32, #tpu.memory_space<hbm>> -> memref<32x768xf32, #tpu.memory_space<hbm>>
    %dma_start3A_248 = arith.constant 768 : i32
    %dma_start3A_249 = tpu.memref_slice %arg4[%select_n3A, %add3A_229, %dma_start3A_248] : memref<4x2048x1536xf32, #tpu.memory_space<hbm>> -> memref<1x32x768xf32, #tpu.memory_space<hbm>>
    %dma_start3A_250 = tpu.memref_squeeze %dma_start3A_249 : memref<1x32x768xf32, #tpu.memory_space<hbm>> -> memref<32x768xf32, #tpu.memory_space<hbm>>
    %dma_start3A_251 = arith.constant 32 : i32
    %dma_start3A_252 = arith.constant 0 : i32
    %dma_start3A_253 = tpu.memref_slice %arg7[%dma_start3A_251, %dma_start3A_252] : memref<64x768xf32, #tpu.memory_space<vmem>> -> memref<32x768xf32, #tpu.memory_space<vmem>>
    tpu.enqueue_dma source(%dma_start3A_253 : memref<32x768xf32, #tpu.memory_space<vmem>>) target(%dma_start3A_250 : memref<32x768xf32, #tpu.memory_space<hbm>>) target_semaphore(%arg9 : memref<!tpu.dma_semaphore, #tpu.memory_space<semaphore_mem>>)
    %dma_wait3A_254 = arith.constant 0 : i32
    %dma_wait3A_255 = arith.constant 0 : i32
    %dma_wait3A_256 = tpu.memref_slice %arg7[%dma_wait3A_254, %dma_wait3A_255] : memref<64x768xf32, #tpu.memory_space<vmem>> -> memref<32x768xf32, #tpu.memory_space<vmem>>
    %dma_wait3A_257 = arith.constant 0 : i32
    %dma_wait3A_258 = tpu.memref_slice %arg4[%select_n3A, %add3A_229, %dma_wait3A_257] : memref<4x2048x1536xf32, #tpu.memory_space<hbm>> -> memref<1x32x768xf32, #tpu.memory_space<hbm>>
    %dma_wait3A_259 = tpu.memref_squeeze %dma_wait3A_258 : memref<1x32x768xf32, #tpu.memory_space<hbm>> -> memref<32x768xf32, #tpu.memory_space<hbm>>
    %dma_wait3A_260 = arith.constant 0 : i32
    %dma_wait3A_261 = tpu.memref_slice %arg4[%select_n3A, %add3A_229, %dma_wait3A_260] : memref<4x2048x1536xf32, #tpu.memory_space<hbm>> -> memref<1x32x768xf32, #tpu.memory_space<hbm>>
    %dma_wait3A_262 = tpu.memref_squeeze %dma_wait3A_261 : memref<1x32x768xf32, #tpu.memory_space<hbm>> -> memref<32x768xf32, #tpu.memory_space<hbm>>
    %dma_wait3A_263 = arith.constant 0 : i32
    %dma_wait3A_264 = arith.constant 0 : i32
    %dma_wait3A_265 = tpu.memref_slice %arg7[%dma_wait3A_263, %dma_wait3A_264] : memref<64x768xf32, #tpu.memory_space<vmem>> -> memref<32x768xf32, #tpu.memory_space<vmem>>
    tpu.wait_dma2 semaphore(%arg9 : memref<!tpu.dma_semaphore, #tpu.memory_space<semaphore_mem>>) src(%dma_wait3A_265 : memref<32x768xf32, #tpu.memory_space<vmem>>) dst(%dma_wait3A_262 : memref<32x768xf32, #tpu.memory_space<hbm>>)
    %dma_wait3A_266 = arith.constant 32 : i32
    %dma_wait3A_267 = arith.constant 0 : i32
    %dma_wait3A_268 = tpu.memref_slice %arg7[%dma_wait3A_266, %dma_wait3A_267] : memref<64x768xf32, #tpu.memory_space<vmem>> -> memref<32x768xf32, #tpu.memory_space<vmem>>
    %dma_wait3A_269 = arith.constant 768 : i32
    %dma_wait3A_270 = tpu.memref_slice %arg4[%select_n3A, %add3A_229, %dma_wait3A_269] : memref<4x2048x1536xf32, #tpu.memory_space<hbm>> -> memref<1x32x768xf32, #tpu.memory_space<hbm>>
    %dma_wait3A_271 = tpu.memref_squeeze %dma_wait3A_270 : memref<1x32x768xf32, #tpu.memory_space<hbm>> -> memref<32x768xf32, #tpu.memory_space<hbm>>
    %dma_wait3A_272 = arith.constant 768 : i32
    %dma_wait3A_273 = tpu.memref_slice %arg4[%select_n3A, %add3A_229, %dma_wait3A_272] : memref<4x2048x1536xf32, #tpu.memory_space<hbm>> -> memref<1x32x768xf32, #tpu.memory_space<hbm>>
    %dma_wait3A_274 = tpu.memref_squeeze %dma_wait3A_273 : memref<1x32x768xf32, #tpu.memory_space<hbm>> -> memref<32x768xf32, #tpu.memory_space<hbm>>
    %dma_wait3A_275 = arith.constant 32 : i32
    %dma_wait3A_276 = arith.constant 0 : i32
    %dma_wait3A_277 = tpu.memref_slice %arg7[%dma_wait3A_275, %dma_wait3A_276] : memref<64x768xf32, #tpu.memory_space<vmem>> -> memref<32x768xf32, #tpu.memory_space<vmem>>
    tpu.wait_dma2 semaphore(%arg9 : memref<!tpu.dma_semaphore, #tpu.memory_space<semaphore_mem>>) src(%dma_wait3A_277 : memref<32x768xf32, #tpu.memory_space<vmem>>) dst(%dma_wait3A_274 : memref<32x768xf32, #tpu.memory_space<hbm>>)
    %dma_start3A_278 = arith.constant 320 : i32
    %dma_start3A_279 = tpu.memref_slice %arg5[%dma_start3A_278] : memref<512xi32, #tpu.memory_space<vmem>> -> memref<64xi32, #tpu.memory_space<vmem>>
    %dma_start3A_280 = arith.constant 0 : i32
    %dma_start3A_281 = arith.constant 0 : i32
    %dma_start3A_282 = tpu.memref_slice %arg2[%dma_start3A_280, %dma_start3A_281] : memref<32768x768xf32, #tpu.memory_space<hbm>> -> memref<32768x768xf32, #tpu.memory_space<hbm>>
    tpu.enqueue_indirect_dma source(%dma_start3A_282 : memref<32768x768xf32, #tpu.memory_space<hbm>>) target(%arg7 : memref<64x768xf32, #tpu.memory_space<vmem>>) offsets(%dma_start3A_279 : memref<64xi32, #tpu.memory_space<vmem>>) semaphore(%arg8 : memref<!tpu.dma_semaphore, #tpu.memory_space<semaphore_mem>>)
    %dma_wait3A_283 = arith.constant 256 : i32
    %dma_wait3A_284 = tpu.memref_slice %arg5[%dma_wait3A_283] : memref<512xi32, #tpu.memory_space<vmem>> -> memref<64xi32, #tpu.memory_space<vmem>>
    %dma_wait3A_285 = arith.constant 0 : i32
    %dma_wait3A_286 = arith.constant 0 : i32
    %dma_wait3A_287 = tpu.memref_slice %arg2[%dma_wait3A_285, %dma_wait3A_286] : memref<32768x768xf32, #tpu.memory_space<hbm>> -> memref<32768x768xf32, #tpu.memory_space<hbm>>
    tpu.wait_indirect_dma semaphore(%arg8 : memref<!tpu.dma_semaphore, #tpu.memory_space<semaphore_mem>>) src(%dma_wait3A_287 : memref<32768x768xf32, #tpu.memory_space<hbm>>) dst(%arg6 : memref<64x768xf32, #tpu.memory_space<vmem>>)
    %add3A_288 = arith.constant 128 : i32
    %add3A_289 = arith.addi %mul3A_32, %add3A_288 : i32
    %dma_start3A_290 = arith.constant 0 : i32
    %dma_start3A_291 = arith.constant 0 : i32
    %dma_start3A_292 = tpu.memref_slice %arg6[%dma_start3A_290, %dma_start3A_291] : memref<64x768xf32, #tpu.memory_space<vmem>> -> memref<32x768xf32, #tpu.memory_space<vmem>>
    %dma_start3A_293 = arith.constant 0 : i32
    %dma_start3A_294 = tpu.memref_slice %arg4[%select_n3A, %add3A_289, %dma_start3A_293] : memref<4x2048x1536xf32, #tpu.memory_space<hbm>> -> memref<1x32x768xf32, #tpu.memory_space<hbm>>
    %dma_start3A_295 = tpu.memref_squeeze %dma_start3A_294 : memref<1x32x768xf32, #tpu.memory_space<hbm>> -> memref<32x768xf32, #tpu.memory_space<hbm>>
    %dma_start3A_296 = arith.constant 0 : i32
    %dma_start3A_297 = tpu.memref_slice %arg4[%select_n3A, %add3A_289, %dma_start3A_296] : memref<4x2048x1536xf32, #tpu.memory_space<hbm>> -> memref<1x32x768xf32, #tpu.memory_space<hbm>>
    %dma_start3A_298 = tpu.memref_squeeze %dma_start3A_297 : memref<1x32x768xf32, #tpu.memory_space<hbm>> -> memref<32x768xf32, #tpu.memory_space<hbm>>
    %dma_start3A_299 = arith.constant 0 : i32
    %dma_start3A_300 = arith.constant 0 : i32
    %dma_start3A_301 = tpu.memref_slice %arg6[%dma_start3A_299, %dma_start3A_300] : memref<64x768xf32, #tpu.memory_space<vmem>> -> memref<32x768xf32, #tpu.memory_space<vmem>>
    tpu.enqueue_dma source(%dma_start3A_301 : memref<32x768xf32, #tpu.memory_space<vmem>>) target(%dma_start3A_298 : memref<32x768xf32, #tpu.memory_space<hbm>>) target_semaphore(%arg9 : memref<!tpu.dma_semaphore, #tpu.memory_space<semaphore_mem>>)
    %dma_start3A_302 = arith.constant 32 : i32
    %dma_start3A_303 = arith.constant 0 : i32
    %dma_start3A_304 = tpu.memref_slice %arg6[%dma_start3A_302, %dma_start3A_303] : memref<64x768xf32, #tpu.memory_space<vmem>> -> memref<32x768xf32, #tpu.memory_space<vmem>>
    %dma_start3A_305 = arith.constant 768 : i32
    %dma_start3A_306 = tpu.memref_slice %arg4[%select_n3A, %add3A_289, %dma_start3A_305] : memref<4x2048x1536xf32, #tpu.memory_space<hbm>> -> memref<1x32x768xf32, #tpu.memory_space<hbm>>
    %dma_start3A_307 = tpu.memref_squeeze %dma_start3A_306 : memref<1x32x768xf32, #tpu.memory_space<hbm>> -> memref<32x768xf32, #tpu.memory_space<hbm>>
    %dma_start3A_308 = arith.constant 768 : i32
    %dma_start3A_309 = tpu.memref_slice %arg4[%select_n3A, %add3A_289, %dma_start3A_308] : memref<4x2048x1536xf32, #tpu.memory_space<hbm>> -> memref<1x32x768xf32, #tpu.memory_space<hbm>>
    %dma_start3A_310 = tpu.memref_squeeze %dma_start3A_309 : memref<1x32x768xf32, #tpu.memory_space<hbm>> -> memref<32x768xf32, #tpu.memory_space<hbm>>
    %dma_start3A_311 = arith.constant 32 : i32
    %dma_start3A_312 = arith.constant 0 : i32
    %dma_start3A_313 = tpu.memref_slice %arg6[%dma_start3A_311, %dma_start3A_312] : memref<64x768xf32, #tpu.memory_space<vmem>> -> memref<32x768xf32, #tpu.memory_space<vmem>>
    tpu.enqueue_dma source(%dma_start3A_313 : memref<32x768xf32, #tpu.memory_space<vmem>>) target(%dma_start3A_310 : memref<32x768xf32, #tpu.memory_space<hbm>>) target_semaphore(%arg9 : memref<!tpu.dma_semaphore, #tpu.memory_space<semaphore_mem>>)
    %dma_wait3A_314 = arith.constant 0 : i32
    %dma_wait3A_315 = arith.constant 0 : i32
    %dma_wait3A_316 = tpu.memref_slice %arg6[%dma_wait3A_314, %dma_wait3A_315] : memref<64x768xf32, #tpu.memory_space<vmem>> -> memref<32x768xf32, #tpu.memory_space<vmem>>
    %dma_wait3A_317 = arith.constant 0 : i32
    %dma_wait3A_318 = tpu.memref_slice %arg4[%select_n3A, %add3A_289, %dma_wait3A_317] : memref<4x2048x1536xf32, #tpu.memory_space<hbm>> -> memref<1x32x768xf32, #tpu.memory_space<hbm>>
    %dma_wait3A_319 = tpu.memref_squeeze %dma_wait3A_318 : memref<1x32x768xf32, #tpu.memory_space<hbm>> -> memref<32x768xf32, #tpu.memory_space<hbm>>
    %dma_wait3A_320 = arith.constant 0 : i32
    %dma_wait3A_321 = tpu.memref_slice %arg4[%select_n3A, %add3A_289, %dma_wait3A_320] : memref<4x2048x1536xf32, #tpu.memory_space<hbm>> -> memref<1x32x768xf32, #tpu.memory_space<hbm>>
    %dma_wait3A_322 = tpu.memref_squeeze %dma_wait3A_321 : memref<1x32x768xf32, #tpu.memory_space<hbm>> -> memref<32x768xf32, #tpu.memory_space<hbm>>
    %dma_wait3A_323 = arith.constant 0 : i32
    %dma_wait3A_324 = arith.constant 0 : i32
    %dma_wait3A_325 = tpu.memref_slice %arg6[%dma_wait3A_323, %dma_wait3A_324] : memref<64x768xf32, #tpu.memory_space<vmem>> -> memref<32x768xf32, #tpu.memory_space<vmem>>
    tpu.wait_dma2 semaphore(%arg9 : memref<!tpu.dma_semaphore, #tpu.memory_space<semaphore_mem>>) src(%dma_wait3A_325 : memref<32x768xf32, #tpu.memory_space<vmem>>) dst(%dma_wait3A_322 : memref<32x768xf32, #tpu.memory_space<hbm>>)
    %dma_wait3A_326 = arith.constant 32 : i32
    %dma_wait3A_327 = arith.constant 0 : i32
    %dma_wait3A_328 = tpu.memref_slice %arg6[%dma_wait3A_326, %dma_wait3A_327] : memref<64x768xf32, #tpu.memory_space<vmem>> -> memref<32x768xf32, #tpu.memory_space<vmem>>
    %dma_wait3A_329 = arith.constant 768 : i32
    %dma_wait3A_330 = tpu.memref_slice %arg4[%select_n3A, %add3A_289, %dma_wait3A_329] : memref<4x2048x1536xf32, #tpu.memory_space<hbm>> -> memref<1x32x768xf32, #tpu.memory_space<hbm>>
    %dma_wait3A_331 = tpu.memref_squeeze %dma_wait3A_330 : memref<1x32x768xf32, #tpu.memory_space<hbm>> -> memref<32x768xf32, #tpu.memory_space<hbm>>
    %dma_wait3A_332 = arith.constant 768 : i32
    %dma_wait3A_333 = tpu.memref_slice %arg4[%select_n3A, %add3A_289, %dma_wait3A_332] : memref<4x2048x1536xf32, #tpu.memory_space<hbm>> -> memref<1x32x768xf32, #tpu.memory_space<hbm>>
    %dma_wait3A_334 = tpu.memref_squeeze %dma_wait3A_333 : memref<1x32x768xf32, #tpu.memory_space<hbm>> -> memref<32x768xf32, #tpu.memory_space<hbm>>
    %dma_wait3A_335 = arith.constant 32 : i32
    %dma_wait3A_336 = arith.constant 0 : i32
    %dma_wait3A_337 = tpu.memref_slice %arg6[%dma_wait3A_335, %dma_wait3A_336] : memref<64x768xf32, #tpu.memory_space<vmem>> -> memref<32x768xf32, #tpu.memory_space<vmem>>
    tpu.wait_dma2 semaphore(%arg9 : memref<!tpu.dma_semaphore, #tpu.memory_space<semaphore_mem>>) src(%dma_wait3A_337 : memref<32x768xf32, #tpu.memory_space<vmem>>) dst(%dma_wait3A_334 : memref<32x768xf32, #tpu.memory_space<hbm>>)
    %dma_start3A_338 = arith.constant 384 : i32
    %dma_start3A_339 = tpu.memref_slice %arg5[%dma_start3A_338] : memref<512xi32, #tpu.memory_space<vmem>> -> memref<64xi32, #tpu.memory_space<vmem>>
    %dma_start3A_340 = arith.constant 0 : i32
    %dma_start3A_341 = arith.constant 0 : i32
    %dma_start3A_342 = tpu.memref_slice %arg2[%dma_start3A_340, %dma_start3A_341] : memref<32768x768xf32, #tpu.memory_space<hbm>> -> memref<32768x768xf32, #tpu.memory_space<hbm>>
    tpu.enqueue_indirect_dma source(%dma_start3A_342 : memref<32768x768xf32, #tpu.memory_space<hbm>>) target(%arg6 : memref<64x768xf32, #tpu.memory_space<vmem>>) offsets(%dma_start3A_339 : memref<64xi32, #tpu.memory_space<vmem>>) semaphore(%arg8 : memref<!tpu.dma_semaphore, #tpu.memory_space<semaphore_mem>>)
    %dma_wait3A_343 = arith.constant 320 : i32
    %dma_wait3A_344 = tpu.memref_slice %arg5[%dma_wait3A_343] : memref<512xi32, #tpu.memory_space<vmem>> -> memref<64xi32, #tpu.memory_space<vmem>>
    %dma_wait3A_345 = arith.constant 0 : i32
    %dma_wait3A_346 = arith.constant 0 : i32
    %dma_wait3A_347 = tpu.memref_slice %arg2[%dma_wait3A_345, %dma_wait3A_346] : memref<32768x768xf32, #tpu.memory_space<hbm>> -> memref<32768x768xf32, #tpu.memory_space<hbm>>
    tpu.wait_indirect_dma semaphore(%arg8 : memref<!tpu.dma_semaphore, #tpu.memory_space<semaphore_mem>>) src(%dma_wait3A_347 : memref<32768x768xf32, #tpu.memory_space<hbm>>) dst(%arg7 : memref<64x768xf32, #tpu.memory_space<vmem>>)
    %add3A_348 = arith.constant 160 : i32
    %add3A_349 = arith.addi %mul3A_32, %add3A_348 : i32
    %dma_start3A_350 = arith.constant 0 : i32
    %dma_start3A_351 = arith.constant 0 : i32
    %dma_start3A_352 = tpu.memref_slice %arg7[%dma_start3A_350, %dma_start3A_351] : memref<64x768xf32, #tpu.memory_space<vmem>> -> memref<32x768xf32, #tpu.memory_space<vmem>>
    %dma_start3A_353 = arith.constant 0 : i32
    %dma_start3A_354 = tpu.memref_slice %arg4[%select_n3A, %add3A_349, %dma_start3A_353] : memref<4x2048x1536xf32, #tpu.memory_space<hbm>> -> memref<1x32x768xf32, #tpu.memory_space<hbm>>
    %dma_start3A_355 = tpu.memref_squeeze %dma_start3A_354 : memref<1x32x768xf32, #tpu.memory_space<hbm>> -> memref<32x768xf32, #tpu.memory_space<hbm>>
    %dma_start3A_356 = arith.constant 0 : i32
    %dma_start3A_357 = tpu.memref_slice %arg4[%select_n3A, %add3A_349, %dma_start3A_356] : memref<4x2048x1536xf32, #tpu.memory_space<hbm>> -> memref<1x32x768xf32, #tpu.memory_space<hbm>>
    %dma_start3A_358 = tpu.memref_squeeze %dma_start3A_357 : memref<1x32x768xf32, #tpu.memory_space<hbm>> -> memref<32x768xf32, #tpu.memory_space<hbm>>
    %dma_start3A_359 = arith.constant 0 : i32
    %dma_start3A_360 = arith.constant 0 : i32
    %dma_start3A_361 = tpu.memref_slice %arg7[%dma_start3A_359, %dma_start3A_360] : memref<64x768xf32, #tpu.memory_space<vmem>> -> memref<32x768xf32, #tpu.memory_space<vmem>>
    tpu.enqueue_dma source(%dma_start3A_361 : memref<32x768xf32, #tpu.memory_space<vmem>>) target(%dma_start3A_358 : memref<32x768xf32, #tpu.memory_space<hbm>>) target_semaphore(%arg9 : memref<!tpu.dma_semaphore, #tpu.memory_space<semaphore_mem>>)
    %dma_start3A_362 = arith.constant 32 : i32
    %dma_start3A_363 = arith.constant 0 : i32
    %dma_start3A_364 = tpu.memref_slice %arg7[%dma_start3A_362, %dma_start3A_363] : memref<64x768xf32, #tpu.memory_space<vmem>> -> memref<32x768xf32, #tpu.memory_space<vmem>>
    %dma_start3A_365 = arith.constant 768 : i32
    %dma_start3A_366 = tpu.memref_slice %arg4[%select_n3A, %add3A_349, %dma_start3A_365] : memref<4x2048x1536xf32, #tpu.memory_space<hbm>> -> memref<1x32x768xf32, #tpu.memory_space<hbm>>
    %dma_start3A_367 = tpu.memref_squeeze %dma_start3A_366 : memref<1x32x768xf32, #tpu.memory_space<hbm>> -> memref<32x768xf32, #tpu.memory_space<hbm>>
    %dma_start3A_368 = arith.constant 768 : i32
    %dma_start3A_369 = tpu.memref_slice %arg4[%select_n3A, %add3A_349, %dma_start3A_368] : memref<4x2048x1536xf32, #tpu.memory_space<hbm>> -> memref<1x32x768xf32, #tpu.memory_space<hbm>>
    %dma_start3A_370 = tpu.memref_squeeze %dma_start3A_369 : memref<1x32x768xf32, #tpu.memory_space<hbm>> -> memref<32x768xf32, #tpu.memory_space<hbm>>
    %dma_start3A_371 = arith.constant 32 : i32
    %dma_start3A_372 = arith.constant 0 : i32
    %dma_start3A_373 = tpu.memref_slice %arg7[%dma_start3A_371, %dma_start3A_372] : memref<64x768xf32, #tpu.memory_space<vmem>> -> memref<32x768xf32, #tpu.memory_space<vmem>>
    tpu.enqueue_dma source(%dma_start3A_373 : memref<32x768xf32, #tpu.memory_space<vmem>>) target(%dma_start3A_370 : memref<32x768xf32, #tpu.memory_space<hbm>>) target_semaphore(%arg9 : memref<!tpu.dma_semaphore, #tpu.memory_space<semaphore_mem>>)
    %dma_wait3A_374 = arith.constant 0 : i32
    %dma_wait3A_375 = arith.constant 0 : i32
    %dma_wait3A_376 = tpu.memref_slice %arg7[%dma_wait3A_374, %dma_wait3A_375] : memref<64x768xf32, #tpu.memory_space<vmem>> -> memref<32x768xf32, #tpu.memory_space<vmem>>
    %dma_wait3A_377 = arith.constant 0 : i32
    %dma_wait3A_378 = tpu.memref_slice %arg4[%select_n3A, %add3A_349, %dma_wait3A_377] : memref<4x2048x1536xf32, #tpu.memory_space<hbm>> -> memref<1x32x768xf32, #tpu.memory_space<hbm>>
    %dma_wait3A_379 = tpu.memref_squeeze %dma_wait3A_378 : memref<1x32x768xf32, #tpu.memory_space<hbm>> -> memref<32x768xf32, #tpu.memory_space<hbm>>
    %dma_wait3A_380 = arith.constant 0 : i32
    %dma_wait3A_381 = tpu.memref_slice %arg4[%select_n3A, %add3A_349, %dma_wait3A_380] : memref<4x2048x1536xf32, #tpu.memory_space<hbm>> -> memref<1x32x768xf32, #tpu.memory_space<hbm>>
    %dma_wait3A_382 = tpu.memref_squeeze %dma_wait3A_381 : memref<1x32x768xf32, #tpu.memory_space<hbm>> -> memref<32x768xf32, #tpu.memory_space<hbm>>
    %dma_wait3A_383 = arith.constant 0 : i32
    %dma_wait3A_384 = arith.constant 0 : i32
    %dma_wait3A_385 = tpu.memref_slice %arg7[%dma_wait3A_383, %dma_wait3A_384] : memref<64x768xf32, #tpu.memory_space<vmem>> -> memref<32x768xf32, #tpu.memory_space<vmem>>
    tpu.wait_dma2 semaphore(%arg9 : memref<!tpu.dma_semaphore, #tpu.memory_space<semaphore_mem>>) src(%dma_wait3A_385 : memref<32x768xf32, #tpu.memory_space<vmem>>) dst(%dma_wait3A_382 : memref<32x768xf32, #tpu.memory_space<hbm>>)
    %dma_wait3A_386 = arith.constant 32 : i32
    %dma_wait3A_387 = arith.constant 0 : i32
    %dma_wait3A_388 = tpu.memref_slice %arg7[%dma_wait3A_386, %dma_wait3A_387] : memref<64x768xf32, #tpu.memory_space<vmem>> -> memref<32x768xf32, #tpu.memory_space<vmem>>
    %dma_wait3A_389 = arith.constant 768 : i32
    %dma_wait3A_390 = tpu.memref_slice %arg4[%select_n3A, %add3A_349, %dma_wait3A_389] : memref<4x2048x1536xf32, #tpu.memory_space<hbm>> -> memref<1x32x768xf32, #tpu.memory_space<hbm>>
    %dma_wait3A_391 = tpu.memref_squeeze %dma_wait3A_390 : memref<1x32x768xf32, #tpu.memory_space<hbm>> -> memref<32x768xf32, #tpu.memory_space<hbm>>
    %dma_wait3A_392 = arith.constant 768 : i32
    %dma_wait3A_393 = tpu.memref_slice %arg4[%select_n3A, %add3A_349, %dma_wait3A_392] : memref<4x2048x1536xf32, #tpu.memory_space<hbm>> -> memref<1x32x768xf32, #tpu.memory_space<hbm>>
    %dma_wait3A_394 = tpu.memref_squeeze %dma_wait3A_393 : memref<1x32x768xf32, #tpu.memory_space<hbm>> -> memref<32x768xf32, #tpu.memory_space<hbm>>
    %dma_wait3A_395 = arith.constant 32 : i32
    %dma_wait3A_396 = arith.constant 0 : i32
    %dma_wait3A_397 = tpu.memref_slice %arg7[%dma_wait3A_395, %dma_wait3A_396] : memref<64x768xf32, #tpu.memory_space<vmem>> -> memref<32x768xf32, #tpu.memory_space<vmem>>
    tpu.wait_dma2 semaphore(%arg9 : memref<!tpu.dma_semaphore, #tpu.memory_space<semaphore_mem>>) src(%dma_wait3A_397 : memref<32x768xf32, #tpu.memory_space<vmem>>) dst(%dma_wait3A_394 : memref<32x768xf32, #tpu.memory_space<hbm>>)
    %dma_start3A_398 = arith.constant 448 : i32
    %dma_start3A_399 = tpu.memref_slice %arg5[%dma_start3A_398] : memref<512xi32, #tpu.memory_space<vmem>> -> memref<64xi32, #tpu.memory_space<vmem>>
    %dma_start3A_400 = arith.constant 0 : i32
    %dma_start3A_401 = arith.constant 0 : i32
    %dma_start3A_402 = tpu.memref_slice %arg2[%dma_start3A_400, %dma_start3A_401] : memref<32768x768xf32, #tpu.memory_space<hbm>> -> memref<32768x768xf32, #tpu.memory_space<hbm>>
    tpu.enqueue_indirect_dma source(%dma_start3A_402 : memref<32768x768xf32, #tpu.memory_space<hbm>>) target(%arg7 : memref<64x768xf32, #tpu.memory_space<vmem>>) offsets(%dma_start3A_399 : memref<64xi32, #tpu.memory_space<vmem>>) semaphore(%arg8 : memref<!tpu.dma_semaphore, #tpu.memory_space<semaphore_mem>>)
    %dma_wait3A_403 = arith.constant 384 : i32
    %dma_wait3A_404 = tpu.memref_slice %arg5[%dma_wait3A_403] : memref<512xi32, #tpu.memory_space<vmem>> -> memref<64xi32, #tpu.memory_space<vmem>>
    %dma_wait3A_405 = arith.constant 0 : i32
    %dma_wait3A_406 = arith.constant 0 : i32
    %dma_wait3A_407 = tpu.memref_slice %arg2[%dma_wait3A_405, %dma_wait3A_406] : memref<32768x768xf32, #tpu.memory_space<hbm>> -> memref<32768x768xf32, #tpu.memory_space<hbm>>
    tpu.wait_indirect_dma semaphore(%arg8 : memref<!tpu.dma_semaphore, #tpu.memory_space<semaphore_mem>>) src(%dma_wait3A_407 : memref<32768x768xf32, #tpu.memory_space<hbm>>) dst(%arg6 : memref<64x768xf32, #tpu.memory_space<vmem>>)
    %add3A_408 = arith.constant 192 : i32
    %add3A_409 = arith.addi %mul3A_32, %add3A_408 : i32
    %dma_start3A_410 = arith.constant 0 : i32
    %dma_start3A_411 = arith.constant 0 : i32
    %dma_start3A_412 = tpu.memref_slice %arg6[%dma_start3A_410, %dma_start3A_411] : memref<64x768xf32, #tpu.memory_space<vmem>> -> memref<32x768xf32, #tpu.memory_space<vmem>>
    %dma_start3A_413 = arith.constant 0 : i32
    %dma_start3A_414 = tpu.memref_slice %arg4[%select_n3A, %add3A_409, %dma_start3A_413] : memref<4x2048x1536xf32, #tpu.memory_space<hbm>> -> memref<1x32x768xf32, #tpu.memory_space<hbm>>
    %dma_start3A_415 = tpu.memref_squeeze %dma_start3A_414 : memref<1x32x768xf32, #tpu.memory_space<hbm>> -> memref<32x768xf32, #tpu.memory_space<hbm>>
    %dma_start3A_416 = arith.constant 0 : i32
    %dma_start3A_417 = tpu.memref_slice %arg4[%select_n3A, %add3A_409, %dma_start3A_416] : memref<4x2048x1536xf32, #tpu.memory_space<hbm>> -> memref<1x32x768xf32, #tpu.memory_space<hbm>>
    %dma_start3A_418 = tpu.memref_squeeze %dma_start3A_417 : memref<1x32x768xf32, #tpu.memory_space<hbm>> -> memref<32x768xf32, #tpu.memory_space<hbm>>
    %dma_start3A_419 = arith.constant 0 : i32
    %dma_start3A_420 = arith.constant 0 : i32
    %dma_start3A_421 = tpu.memref_slice %arg6[%dma_start3A_419, %dma_start3A_420] : memref<64x768xf32, #tpu.memory_space<vmem>> -> memref<32x768xf32, #tpu.memory_space<vmem>>
    tpu.enqueue_dma source(%dma_start3A_421 : memref<32x768xf32, #tpu.memory_space<vmem>>) target(%dma_start3A_418 : memref<32x768xf32, #tpu.memory_space<hbm>>) target_semaphore(%arg9 : memref<!tpu.dma_semaphore, #tpu.memory_space<semaphore_mem>>)
    %dma_start3A_422 = arith.constant 32 : i32
    %dma_start3A_423 = arith.constant 0 : i32
    %dma_start3A_424 = tpu.memref_slice %arg6[%dma_start3A_422, %dma_start3A_423] : memref<64x768xf32, #tpu.memory_space<vmem>> -> memref<32x768xf32, #tpu.memory_space<vmem>>
    %dma_start3A_425 = arith.constant 768 : i32
    %dma_start3A_426 = tpu.memref_slice %arg4[%select_n3A, %add3A_409, %dma_start3A_425] : memref<4x2048x1536xf32, #tpu.memory_space<hbm>> -> memref<1x32x768xf32, #tpu.memory_space<hbm>>
    %dma_start3A_427 = tpu.memref_squeeze %dma_start3A_426 : memref<1x32x768xf32, #tpu.memory_space<hbm>> -> memref<32x768xf32, #tpu.memory_space<hbm>>
    %dma_start3A_428 = arith.constant 768 : i32
    %dma_start3A_429 = tpu.memref_slice %arg4[%select_n3A, %add3A_409, %dma_start3A_428] : memref<4x2048x1536xf32, #tpu.memory_space<hbm>> -> memref<1x32x768xf32, #tpu.memory_space<hbm>>
    %dma_start3A_430 = tpu.memref_squeeze %dma_start3A_429 : memref<1x32x768xf32, #tpu.memory_space<hbm>> -> memref<32x768xf32, #tpu.memory_space<hbm>>
    %dma_start3A_431 = arith.constant 32 : i32
    %dma_start3A_432 = arith.constant 0 : i32
    %dma_start3A_433 = tpu.memref_slice %arg6[%dma_start3A_431, %dma_start3A_432] : memref<64x768xf32, #tpu.memory_space<vmem>> -> memref<32x768xf32, #tpu.memory_space<vmem>>
    tpu.enqueue_dma source(%dma_start3A_433 : memref<32x768xf32, #tpu.memory_space<vmem>>) target(%dma_start3A_430 : memref<32x768xf32, #tpu.memory_space<hbm>>) target_semaphore(%arg9 : memref<!tpu.dma_semaphore, #tpu.memory_space<semaphore_mem>>)
    %dma_wait3A_434 = arith.constant 448 : i32
    %dma_wait3A_435 = tpu.memref_slice %arg5[%dma_wait3A_434] : memref<512xi32, #tpu.memory_space<vmem>> -> memref<64xi32, #tpu.memory_space<vmem>>
    %dma_wait3A_436 = arith.constant 0 : i32
    %dma_wait3A_437 = arith.constant 0 : i32
    %dma_wait3A_438 = tpu.memref_slice %arg2[%dma_wait3A_436, %dma_wait3A_437] : memref<32768x768xf32, #tpu.memory_space<hbm>> -> memref<32768x768xf32, #tpu.memory_space<hbm>>
    tpu.wait_indirect_dma semaphore(%arg8 : memref<!tpu.dma_semaphore, #tpu.memory_space<semaphore_mem>>) src(%dma_wait3A_438 : memref<32768x768xf32, #tpu.memory_space<hbm>>) dst(%arg7 : memref<64x768xf32, #tpu.memory_space<vmem>>)
    %add3A_439 = arith.constant 224 : i32
    %add3A_440 = arith.addi %mul3A_32, %add3A_439 : i32
    %dma_start3A_441 = arith.constant 0 : i32
    %dma_start3A_442 = arith.constant 0 : i32
    %dma_start3A_443 = tpu.memref_slice %arg7[%dma_start3A_441, %dma_start3A_442] : memref<64x768xf32, #tpu.memory_space<vmem>> -> memref<32x768xf32, #tpu.memory_space<vmem>>
    %dma_start3A_444 = arith.constant 0 : i32
    %dma_start3A_445 = tpu.memref_slice %arg4[%select_n3A, %add3A_440, %dma_start3A_444] : memref<4x2048x1536xf32, #tpu.memory_space<hbm>> -> memref<1x32x768xf32, #tpu.memory_space<hbm>>
    %dma_start3A_446 = tpu.memref_squeeze %dma_start3A_445 : memref<1x32x768xf32, #tpu.memory_space<hbm>> -> memref<32x768xf32, #tpu.memory_space<hbm>>
    %dma_start3A_447 = arith.constant 0 : i32
    %dma_start3A_448 = tpu.memref_slice %arg4[%select_n3A, %add3A_440, %dma_start3A_447] : memref<4x2048x1536xf32, #tpu.memory_space<hbm>> -> memref<1x32x768xf32, #tpu.memory_space<hbm>>
    %dma_start3A_449 = tpu.memref_squeeze %dma_start3A_448 : memref<1x32x768xf32, #tpu.memory_space<hbm>> -> memref<32x768xf32, #tpu.memory_space<hbm>>
    %dma_start3A_450 = arith.constant 0 : i32
    %dma_start3A_451 = arith.constant 0 : i32
    %dma_start3A_452 = tpu.memref_slice %arg7[%dma_start3A_450, %dma_start3A_451] : memref<64x768xf32, #tpu.memory_space<vmem>> -> memref<32x768xf32, #tpu.memory_space<vmem>>
    tpu.enqueue_dma source(%dma_start3A_452 : memref<32x768xf32, #tpu.memory_space<vmem>>) target(%dma_start3A_449 : memref<32x768xf32, #tpu.memory_space<hbm>>) target_semaphore(%arg9 : memref<!tpu.dma_semaphore, #tpu.memory_space<semaphore_mem>>)
    %dma_start3A_453 = arith.constant 32 : i32
    %dma_start3A_454 = arith.constant 0 : i32
    %dma_start3A_455 = tpu.memref_slice %arg7[%dma_start3A_453, %dma_start3A_454] : memref<64x768xf32, #tpu.memory_space<vmem>> -> memref<32x768xf32, #tpu.memory_space<vmem>>
    %dma_start3A_456 = arith.constant 768 : i32
    %dma_start3A_457 = tpu.memref_slice %arg4[%select_n3A, %add3A_440, %dma_start3A_456] : memref<4x2048x1536xf32, #tpu.memory_space<hbm>> -> memref<1x32x768xf32, #tpu.memory_space<hbm>>
    %dma_start3A_458 = tpu.memref_squeeze %dma_start3A_457 : memref<1x32x768xf32, #tpu.memory_space<hbm>> -> memref<32x768xf32, #tpu.memory_space<hbm>>
    %dma_start3A_459 = arith.constant 768 : i32
    %dma_start3A_460 = tpu.memref_slice %arg4[%select_n3A, %add3A_440, %dma_start3A_459] : memref<4x2048x1536xf32, #tpu.memory_space<hbm>> -> memref<1x32x768xf32, #tpu.memory_space<hbm>>
    %dma_start3A_461 = tpu.memref_squeeze %dma_start3A_460 : memref<1x32x768xf32, #tpu.memory_space<hbm>> -> memref<32x768xf32, #tpu.memory_space<hbm>>
    %dma_start3A_462 = arith.constant 32 : i32
    %dma_start3A_463 = arith.constant 0 : i32
    %dma_start3A_464 = tpu.memref_slice %arg7[%dma_start3A_462, %dma_start3A_463] : memref<64x768xf32, #tpu.memory_space<vmem>> -> memref<32x768xf32, #tpu.memory_space<vmem>>
    tpu.enqueue_dma source(%dma_start3A_464 : memref<32x768xf32, #tpu.memory_space<vmem>>) target(%dma_start3A_461 : memref<32x768xf32, #tpu.memory_space<hbm>>) target_semaphore(%arg9 : memref<!tpu.dma_semaphore, #tpu.memory_space<semaphore_mem>>)
    %dma_wait3A_465 = arith.constant 0 : i32
    %dma_wait3A_466 = arith.constant 0 : i32
    %dma_wait3A_467 = tpu.memref_slice %arg6[%dma_wait3A_465, %dma_wait3A_466] : memref<64x768xf32, #tpu.memory_space<vmem>> -> memref<32x768xf32, #tpu.memory_space<vmem>>
    %dma_wait3A_468 = arith.constant 0 : i32
    %dma_wait3A_469 = tpu.memref_slice %arg4[%select_n3A, %add3A_409, %dma_wait3A_468] : memref<4x2048x1536xf32, #tpu.memory_space<hbm>> -> memref<1x32x768xf32, #tpu.memory_space<hbm>>
    %dma_wait3A_470 = tpu.memref_squeeze %dma_wait3A_469 : memref<1x32x768xf32, #tpu.memory_space<hbm>> -> memref<32x768xf32, #tpu.memory_space<hbm>>
    %dma_wait3A_471 = arith.constant 0 : i32
    %dma_wait3A_472 = tpu.memref_slice %arg4[%select_n3A, %add3A_409, %dma_wait3A_471] : memref<4x2048x1536xf32, #tpu.memory_space<hbm>> -> memref<1x32x768xf32, #tpu.memory_space<hbm>>
    %dma_wait3A_473 = tpu.memref_squeeze %dma_wait3A_472 : memref<1x32x768xf32, #tpu.memory_space<hbm>> -> memref<32x768xf32, #tpu.memory_space<hbm>>
    %dma_wait3A_474 = arith.constant 0 : i32
    %dma_wait3A_475 = arith.constant 0 : i32
    %dma_wait3A_476 = tpu.memref_slice %arg6[%dma_wait3A_474, %dma_wait3A_475] : memref<64x768xf32, #tpu.memory_space<vmem>> -> memref<32x768xf32, #tpu.memory_space<vmem>>
    tpu.wait_dma2 semaphore(%arg9 : memref<!tpu.dma_semaphore, #tpu.memory_space<semaphore_mem>>) src(%dma_wait3A_476 : memref<32x768xf32, #tpu.memory_space<vmem>>) dst(%dma_wait3A_473 : memref<32x768xf32, #tpu.memory_space<hbm>>)
    %dma_wait3A_477 = arith.constant 32 : i32
    %dma_wait3A_478 = arith.constant 0 : i32
    %dma_wait3A_479 = tpu.memref_slice %arg6[%dma_wait3A_477, %dma_wait3A_478] : memref<64x768xf32, #tpu.memory_space<vmem>> -> memref<32x768xf32, #tpu.memory_space<vmem>>
    %dma_wait3A_480 = arith.constant 768 : i32
    %dma_wait3A_481 = tpu.memref_slice %arg4[%select_n3A, %add3A_409, %dma_wait3A_480] : memref<4x2048x1536xf32, #tpu.memory_space<hbm>> -> memref<1x32x768xf32, #tpu.memory_space<hbm>>
    %dma_wait3A_482 = tpu.memref_squeeze %dma_wait3A_481 : memref<1x32x768xf32, #tpu.memory_space<hbm>> -> memref<32x768xf32, #tpu.memory_space<hbm>>
    %dma_wait3A_483 = arith.constant 768 : i32
    %dma_wait3A_484 = tpu.memref_slice %arg4[%select_n3A, %add3A_409, %dma_wait3A_483] : memref<4x2048x1536xf32, #tpu.memory_space<hbm>> -> memref<1x32x768xf32, #tpu.memory_space<hbm>>
    %dma_wait3A_485 = tpu.memref_squeeze %dma_wait3A_484 : memref<1x32x768xf32, #tpu.memory_space<hbm>> -> memref<32x768xf32, #tpu.memory_space<hbm>>
    %dma_wait3A_486 = arith.constant 32 : i32
    %dma_wait3A_487 = arith.constant 0 : i32
    %dma_wait3A_488 = tpu.memref_slice %arg6[%dma_wait3A_486, %dma_wait3A_487] : memref<64x768xf32, #tpu.memory_space<vmem>> -> memref<32x768xf32, #tpu.memory_space<vmem>>
    tpu.wait_dma2 semaphore(%arg9 : memref<!tpu.dma_semaphore, #tpu.memory_space<semaphore_mem>>) src(%dma_wait3A_488 : memref<32x768xf32, #tpu.memory_space<vmem>>) dst(%dma_wait3A_485 : memref<32x768xf32, #tpu.memory_space<hbm>>)
    %dma_wait3A_489 = arith.constant 0 : i32
    %dma_wait3A_490 = arith.constant 0 : i32
    %dma_wait3A_491 = tpu.memref_slice %arg7[%dma_wait3A_489, %dma_wait3A_490] : memref<64x768xf32, #tpu.memory_space<vmem>> -> memref<32x768xf32, #tpu.memory_space<vmem>>
    %dma_wait3A_492 = arith.constant 0 : i32
    %dma_wait3A_493 = tpu.memref_slice %arg4[%select_n3A, %add3A_440, %dma_wait3A_492] : memref<4x2048x1536xf32, #tpu.memory_space<hbm>> -> memref<1x32x768xf32, #tpu.memory_space<hbm>>
    %dma_wait3A_494 = tpu.memref_squeeze %dma_wait3A_493 : memref<1x32x768xf32, #tpu.memory_space<hbm>> -> memref<32x768xf32, #tpu.memory_space<hbm>>
    %dma_wait3A_495 = arith.constant 0 : i32
    %dma_wait3A_496 = tpu.memref_slice %arg4[%select_n3A, %add3A_440, %dma_wait3A_495] : memref<4x2048x1536xf32, #tpu.memory_space<hbm>> -> memref<1x32x768xf32, #tpu.memory_space<hbm>>
    %dma_wait3A_497 = tpu.memref_squeeze %dma_wait3A_496 : memref<1x32x768xf32, #tpu.memory_space<hbm>> -> memref<32x768xf32, #tpu.memory_space<hbm>>
    %dma_wait3A_498 = arith.constant 0 : i32
    %dma_wait3A_499 = arith.constant 0 : i32
    %dma_wait3A_500 = tpu.memref_slice %arg7[%dma_wait3A_498, %dma_wait3A_499] : memref<64x768xf32, #tpu.memory_space<vmem>> -> memref<32x768xf32, #tpu.memory_space<vmem>>
    tpu.wait_dma2 semaphore(%arg9 : memref<!tpu.dma_semaphore, #tpu.memory_space<semaphore_mem>>) src(%dma_wait3A_500 : memref<32x768xf32, #tpu.memory_space<vmem>>) dst(%dma_wait3A_497 : memref<32x768xf32, #tpu.memory_space<hbm>>)
    %dma_wait3A_501 = arith.constant 32 : i32
    %dma_wait3A_502 = arith.constant 0 : i32
    %dma_wait3A_503 = tpu.memref_slice %arg7[%dma_wait3A_501, %dma_wait3A_502] : memref<64x768xf32, #tpu.memory_space<vmem>> -> memref<32x768xf32, #tpu.memory_space<vmem>>
    %dma_wait3A_504 = arith.constant 768 : i32
    %dma_wait3A_505 = tpu.memref_slice %arg4[%select_n3A, %add3A_440, %dma_wait3A_504] : memref<4x2048x1536xf32, #tpu.memory_space<hbm>> -> memref<1x32x768xf32, #tpu.memory_space<hbm>>
    %dma_wait3A_506 = tpu.memref_squeeze %dma_wait3A_505 : memref<1x32x768xf32, #tpu.memory_space<hbm>> -> memref<32x768xf32, #tpu.memory_space<hbm>>
    %dma_wait3A_507 = arith.constant 768 : i32
    %dma_wait3A_508 = tpu.memref_slice %arg4[%select_n3A, %add3A_440, %dma_wait3A_507] : memref<4x2048x1536xf32, #tpu.memory_space<hbm>> -> memref<1x32x768xf32, #tpu.memory_space<hbm>>
    %dma_wait3A_509 = tpu.memref_squeeze %dma_wait3A_508 : memref<1x32x768xf32, #tpu.memory_space<hbm>> -> memref<32x768xf32, #tpu.memory_space<hbm>>
    %dma_wait3A_510 = arith.constant 32 : i32
    %dma_wait3A_511 = arith.constant 0 : i32
    %dma_wait3A_512 = tpu.memref_slice %arg7[%dma_wait3A_510, %dma_wait3A_511] : memref<64x768xf32, #tpu.memory_space<vmem>> -> memref<32x768xf32, #tpu.memory_space<vmem>>
    tpu.wait_dma2 semaphore(%arg9 : memref<!tpu.dma_semaphore, #tpu.memory_space<semaphore_mem>>) src(%dma_wait3A_512 : memref<32x768xf32, #tpu.memory_space<vmem>>) dst(%dma_wait3A_509 : memref<32x768xf32, #tpu.memory_space<hbm>>)
    return
  }
}

</mosaic_0001>

<sc_bundles>
// kernel: kernel.3.cloned.1.call-start
scs
__scs_entry_jumppad:
0x0: {  	(pc) =	sbr.rel $0x88, $3  }
0x1: {  	(tag) =	ssettag $0x0;
	lr =	simm.s32 $0x1  }
0x2: {  	[smem:$0x3F9F] =	sst lr;
	_ =	strace $0xD0000000  }
0x3: {  	_ = 	snop  }
0x4: {  	_ = 	snop  }
0x5: {  	_ = 	snop  }
0x6: {  	_ = 	snop  }
0x7: {  	_ = 	snop  }
__scs_overlays_trampoline_lowered:
0x8: {  	[smem:$0x3FAE] =	sst s0  }
0x9: {  	[smem:$0x3FAF] =	sst s1  }
0xa: {  	[smem:$0x3FB0] =	sst s2  }
0xb: {  	[smem:$0x3FB1] =	sst s3  }
0xc: {  	[smem:$0x3FB2] =	sst s4  }
0xd: {  	[smem:$0x3FB3] =	sst s5  }
0xe: {  	[smem:$0x3FB4] =	sst s6  }
0xf: {  	[smem:$0x3FB5] =	sst s7  }
0x10: {  	[smem:$0x3FB6] =	sst s8  }
0x11: {  	[smem:$0x3FB7] =	sst s9;
	s0 =	simm.s32 @!p0 $0x0  }
0x12: {  	s1 =	sld [smem:$0x3F9D];
	s0 =	simm.s32 @p0 $0x1  }
0x13: {  	[smem:$0x3FB8] =	sst s0;
	s0 =	simm.s32 @!p1 $0x0  }
0x14: {  	s2 =	sld [smem:$0x3F9C];
	s0 =	simm.s32 @p1 $0x1  }
0x15: {  	[smem:$0x3FB9] =	sst s0;
	s0 =	simm.s32 @!p2 $0x0  }
0x16: {  	s3 =	sld [smem:$0x3FDB];
	s0 =	simm.s32 @p2 $0x1  }
0x17: {  	s4 =	simm.s32 $0x1BF5;
	[smem:$0x3FBB] =	sst s0  }
0x18: {  	s0 =	sld [smem:$0x3F9E];
	_ =	swait.ge [sflag:s4], $0x0  }
0x19: {  	s7 =	sld [smem:$0x3F9F]  }
0x1a: {  	s8 =	sadd.s32 $0xFFFFE003, lr  }
0x1b: {  	s9 =	sadd.s32 $0xFFFFFEF7, lr;
	s5 =	simm.s32 $0xFFFFFFFF;
	p2 =	slt.u32 s8, $0xFFFFF086  }
0x1c: {  	p1 =	slt.u32 s9, $0xF7A;
	s5 =	simm.s32 @!p2 $0x0  }
0x1d: {  	s5 =	simm.s32 @p1 $0x1;
	p0 =	seq.s32 s7, s2  }
0x1e: {  	s7 =	smul.u32 @!p0 $0xF7A, s2;
	p2 =	seq.s32 @!p0 s5, $0x0  }
0x1f: {  	s9 =	smul.u32 $0xF7A, s1;
	s8 =	simm.s32 @!p0 $0x1BF5;
	p2 =	por !p2, p0  }
0x20: {  	[sflag:s8] =	ssyncset.s32 @!p0 $0xFFFFF086;
	s6 =	sadd.s32 @!p0 s3, s7;
	s7 =	simm.s32 @!p0 $0x108  }
0x21: {  	s3 =	sadd.s32 s3, s9;
	s6 =	sadd.s32 @!p0 $0x88, s6;
	s7 =	simm.s32 @p2 $0x1082  }
0x22: {  	[simem:s7], [sflag:s8] =	dma.local @!p0 [hbm:s6], $0xF7A  }
0x23: {  	s9 =	sor.u32 $0xD0000000, s2;
	s6 =	simm.s32 $0x108;
	_ =	swait.ge @!p0 [sflag:s8], $0x0  }
0x24: {  	s3 =	sadd.s32 $0x88, s3;
	s6 =	simm.s32 @!p1 $0x1082;
	[sflag:s4] =	ssyncset.s32 $0xFFFFF086  }
0x25: {  	[simem:s6], [sflag:s4] =	dma.local [hbm:s3], $0xF7A  }
0x26: {  	[smem:$0x3F9F] =	sst s1;
	(tag) =	ssettag s2;
	_ =	strace s9  }
0x27: {  	s1 =	sld [smem:$0x3FAF]  }
0x28: {  	s2 =	sld [smem:$0x3FB0]  }
0x29: {  	s4 =	sld [smem:$0x3FB2]  }
0x2a: {  	p0 =	seq.s32 s5, $0x0;
	s5 =	sld [smem:$0x3FB3]  }
0x2b: {  	s6 =	sld [smem:$0x3FB4]  }
0x2c: {  	s7 =	sld [smem:$0x3FB5]  }
0x2d: {  	s3 =	simm.s32 $0x108;
	s8 =	sld [smem:$0x3FB6]  }
0x2e: {  	s3 =	simm.s32 @!p0 $0x1082;
	s9 =	sld [smem:$0x3FB7]  }
0x2f: {  	lr =	sadd.s32 s0, s3;
	s0 =	sld [smem:$0x3FAE]  }
0x30: {  	s3 =	sld [smem:$0x3FB1]  }
0x31: {  	[smem:$0x3FBA] =	sst s10  }
0x32: {  	s10 =	sld [smem:$0x3FB8];
	_ =	sdelay $0x3  }
0x33: {  	p0 =	seq.s32 s10, $0x1;
	s10 =	sld [smem:$0x3FBA];
	_ =	sdelay $0x3  }
0x34: {  	[smem:$0x3FBA] =	sst s10  }
0x35: {  	s10 =	sld [smem:$0x3FB9];
	_ =	sdelay $0x3  }
0x36: {  	p1 =	seq.s32 s10, $0x1;
	s10 =	sld [smem:$0x3FBA];
	_ =	sdelay $0x3  }
0x37: {  	[smem:$0x3FBA] =	sst s10  }
0x38: {  	s10 =	sld [smem:$0x3FBB]  }
0x39: {  	_ = 	snop;
	(pc) =	sbr.ind lr, $3  }
0x3a: {  	_ = 	snop  }
0x3b: {  	_ = 	snop  }
0x3c: {  	p2 =	seq.s32 s10, $0x1;
	s10 =	sld [smem:$0x3FBA]  }
0x3d: {  	_ =	shalt  }
0x3e: {  	_ =	shalt  }
0x3f: {  	_ =	shalt  }
0x40: {  	_ =	shalt  }
0x41: {  	_ =	shalt  }
0x42: {  	_ =	shalt  }
0x43: {  	_ =	shalt  }
0x44: {  	_ =	shalt  }
0x45: {  	_ =	shalt  }
0x46: {  	_ =	shalt  }
0x47: {  	_ =	shalt  }
0x48: {  	_ =	shalt  }
0x49: {  	_ =	shalt  }
0x4a: {  	_ =	shalt  }
0x4b: {  	_ =	shalt  }
0x4c: {  	_ =	shalt  }
0x4d: {  	_ =	shalt  }
0x4e: {  	_ =	shalt  }
0x4f: {  	_ =	shalt  }
0x50: {  	_ =	shalt  }
0x51: {  	_ =	shalt  }
0x52: {  	_ =	shalt  }
0x53: {  	_ =	shalt  }
0x54: {  	_ =	shalt  }
0x55: {  	_ =	shalt  }
0x56: {  	_ =	shalt  }
0x57: {  	_ =	shalt  }
0x58: {  	_ =	shalt  }
0x59: {  	_ =	shalt  }
0x5a: {  	_ =	shalt  }
0x5b: {  	_ =	shalt  }
0x5c: {  	_ =	shalt  }
0x5d: {  	_ =	shalt  }
0x5e: {  	_ =	shalt  }
0x5f: {  	_ =	shalt  }
0x60: {  	_ =	shalt  }
0x61: {  	_ =	shalt  }
0x62: {  	_ =	shalt  }
0x63: {  	_ =	shalt  }
0x64: {  	_ =	shalt  }
0x65: {  	_ =	shalt  }
0x66: {  	_ =	shalt  }
0x67: {  	_ =	shalt  }
0x68: {  	_ =	shalt  }
0x69: {  	_ =	shalt  }
0x6a: {  	_ =	shalt  }
0x6b: {  	_ =	shalt  }
0x6c: {  	_ =	shalt  }
0x6d: {  	_ =	shalt  }
0x6e: {  	_ =	shalt  }
0x6f: {  	_ =	shalt  }
0x70: {  	_ =	shalt  }
0x71: {  	_ =	shalt  }
0x72: {  	_ =	shalt  }
0x73: {  	_ =	shalt  }
0x74: {  	_ =	shalt  }
0x75: {  	_ =	shalt  }
0x76: {  	_ =	shalt  }
0x77: {  	_ =	shalt  }
0x78: {  	_ =	shalt  }
0x79: {  	_ =	shalt  }
0x7a: {  	_ =	shalt  }
0x7b: {  	_ =	shalt  }
0x7c: {  	_ =	shalt  }
0x7d: {  	_ =	shalt  }
0x7e: {  	_ =	shalt  }
0x7f: {  	_ =	shalt  }
0x80: {  	_ =	shalt  }
0x81: {  	_ =	shalt  }
0x82: {  	_ =	shalt  }
0x83: {  	_ =	shalt  }
0x84: {  	_ =	shalt  }
0x85: {  	_ =	shalt  }
0x86: {  	_ =	shalt  }
0x87: {  	_ =	shalt  }
.Lfunc_end0:
.L_simem_size_0:
called_computation_lowered:
.L_overlay_start_0:
0x88: {  	s2 =	sld [smem:$0x3FD9]  }
0x89: {  	s3 =	sld [smem:$0x3FFE];
	_ =	sdelay $0x1  }
0x8a: {  	s1 =	srdreg.scid  }
0x8b: {  	s0 =	sand.u32 $0x1, s1  }
0x8c: {  	s17 =	sshll.u32 s0, $0xA;
	s2 =	sadd.s32 s3, s2  }
0x8d: {  	s2 =	sadd.s32 s2, s17  }
0x8e: {  	[smem:$0x3FC6] =	sst s2  }
0x8f: {  	_ = 	snop  }
0x90: {  	s2 =	sld [smem:$0x3FC9]  }
0x91: {  	s18 =	sld [smem:$0x3FD0];
	(tm) =	ssettm $0x1  }
0x92: {  	s4 =	sld [smem:$0x3FFB];
	_ =	sdelay $0x3  }
0x93: {  	_ =	strace s4  }
0x94: {  	s4 =	sld [smem:$0x3FFC];
	_ =	sdelay $0x3  }
0x95: {  	_ =	strace s4  }
0x96: {  	s4 =	sld [smem:$0x3FFD];
	_ =	sdelay $0x3  }
0x97: {  	_ =	strace s4  }
0x98: {  	_ =	strace $0x8FFFFFFF  }
0x99: {  	s19 =	sld [smem:$0x3FDB];
	_ =	sdelay $0x1  }
0x9a: {  	s5 =	simm.s32 $_scs_section_size  }
0x9b: {  	s6 =	simm.s32 $_size__tile_overlayer_lowered;
	s7 =	simm.s32 $_tile_overlayer_lowered  }
0x9c: {  	s22 =	simm.s32 $0x1BFF;
	s21 =	sshll.u32 s7, $0x1;
	s4 =	sadd.s32 s5, s19  }
0x9d: {  	s8 =	simm.s32 $0x0;
	s20 =	sshll.u32 s6, $0x1;
	s6 =	sadd.s32 s21, s4  }
0x9e: {  	[timem:s8], [sflag:s22] =	dma.local [hbm:s6], s20  }
0x9f: {  	_ =	swait.ge [sflag:s22], s20  }
0xa0: {  	s5 =	ssub.s32 $0x0, s20;
	[sflag:s22] =	ssyncset.done $0x0  }
0xa1: {  	[sflag:s22] =	ssyncadd.s32 s5;
	_ =	sdelay $0x1  }
0xa2: {  	s23 =	simm.s32 $0x1B8B  }
0xa3: {  	_ =	swait.ge [sflag:s23], $0x1  }
0xa4: {  	[sflag:s23] =	ssyncset.done $0x0  }
0xa5: {  	s25 =	simm.s32 $0x1B8E;
	s24 =	sld [smem:$0x3FFE];
	[sflag:s23] =	ssyncadd.s32 $0xFFFFFFFF  }
0xa6: {  	s26 =	simm.s32 $execute0_lowered;
	[smem:$0x3FD2] =	sst s25  }
0xa7: {  	s6 =	sshll.u32 s26, $0x1;
	_ =	strace $0x80000046;
	[dreg:$0x1] =	wrdreg $0xFFFFFFFF  }
0xa8: {  	s28 =	simm.s32 $_size_execute0_lowered;
	s4 =	sadd.s32 s4, s6;
	[dreg:$0x0] =	wrdreg $0x0  }
0xa9: {  	s6 =	sshll.u32 s28, $0x1;
	[dreg:$0x2] =	wrdreg s4  }
0xaa: {  	[dreg:$0x3] =	wrdreg s6  }
0xab: {  	[dreg:$0x4] =	wrdreg $0xC0  }
0xac: {  	_ =	task [dreg:s8], $0x5FFFF  }
0xad: {  	[dreg:$0x1] =	wrdreg $0xFFFFFFFF  }
0xae: {  	[dreg:$0x0] =	wrdreg $0x60  }
0xaf: {  	[dreg:$0x2] =	wrdreg s2  }
0xb0: {  	[dreg:$0x3] =	wrdreg s24  }
0xb1: {  	[dreg:$0x4] =	wrdreg s18  }
0xb2: {  	[dreg:$0x5] =	wrdreg $0x9  }
0xb3: {  	_ =	task.clear_ibuf [dreg:s8], $0x6FFFF;
	_ =	strace $0x90000046  }
0xb4: {  	s29 =	simm.s32 $0x9;
	_ =	strace $0x80000048  }
0xb5: {  	_ =	swait.ge [sflag:s29], $0x1  }
0xb6: {  	[sflag:s29] =	ssyncadd.s32 $0xFFFFFFFF  }
0xb7: {  	_ =	strace $0x90000048  }
0xb8: {  	_ =	sfence  }
0xb9: {  	s30 =	sld [smem:$0x0];
	_ =	sdelay $0x2  }
0xba: {  	s31 =	sshll.u32 s1, $0xD;
	s1 =	sshrl.u32 s1, $0x2  }
0xbb: {  	s3 =	sand.u32 $0x4000, s31;
	s1 =	sadd.s32 s1, s30  }
0xbc: {  	s0 =	sor.u32 s3, s0;
	s1 =	sshll.u32 s1, $0x11  }
0xbd: {  	s0 =	sor.u32 s1, s0  }
0xbe: {  	s0 =	sadd.s32 $0x8F2B, s0  }
0xbf: {  	[sflag:s0] =	ssyncadd.remote.s32 $0x1  }
0xc0: {  	_ =	sfence.sel $0xFFFF  }
0xc1: {  	[dreg:$0x0] =	wrdreg $0xFFFFFFFF;
	(pc) =	sbr.abs _section_cstart, $3  }
0xc2: {  	[dreg:$0x1] =	wrdreg $0xFFFFFFFF  }
0xc3: {  	_ =	task.clear_ibuf [dreg:s8], $0x2FFFF;
	_ =	strace $0x9FFFFFFF  }
0xc4: {  	(tm) =	ssettm $0x7FFFFFFF  }
0xc5: {  	_ =	shalt  }
tec
execute0_lowered:
.L_overlay_start_1:
0x0: {  	(tag) =	ssettag $0x1  }
0x1: {  	s0 =	srdreg.scid;
	s3 =	stileid.u32  }
0x2: {  	s0 =	sand.u32 $0x1, s0;
	s2 =	sshll.u32 s3, $0x1  }
0x3: {  	s1 =	rddreg [dreg:$0x0];
	s3 =	sshrl.u32 s3, $0x2;
	s2 =	sor.u32 s0, s2  }
0x4: {  	s4 =	rddreg [dreg:$0x1];
	s6 =	smul.u32 $0x300000, s3;
	s5 =	sand.u32 $0x7, s2  }
0x5: {  	s7 =	rddreg [dreg:$0x2];
	s5 =	smul.u32 $0x60000, s5  }
0x6: {  	s8 =	sadd.s32 $0x300, s7;
	s3 =	simm.s32 $0x0;
	s2 =	sshll.u32 s2, $0x6  }
0x7: {  	s0 =	ssub.s32 $0x2, s0;
	s2 =	sadd.s32 s2, s4;
	s5 =	sadd.s32 s6, s5  }
0x8: {  	[smem:$0x7FF] =	sst s3;
	s2 =	sadd.s32 $0x400, s2;
	s4 =	sshrl.u32 s5, $0x3  }
0x9: {  	_ =	strace $0x80000047;
	[dreg:$0x4] =	wrdreg s2;
	s6 =	sadd.s32 s7, s4  }
0xa: {  	s9 =	sadd.s32 s4, s8;
	s10 =	sor.u32 $0x1800, s4;
	[dreg:$0x5] =	wrdreg s6  }
0xb: {  	s29 =	sshrl.u32 s0, $0x1;
	[dreg:$0x6] =	wrdreg s9;
	s11 =	sadd.s32 s7, s10  }
0xc: {  	s13 =	sor.u32 $0x3000, s4;
	s12 =	sadd.s32 s10, s8;
	[dreg:$0x7] =	wrdreg s11  }
0xd: {  	s0 =	ssub.s32 s0, s29;
	s14 =	sadd.s32 s7, s13;
	[dreg:$0x8] =	wrdreg s12  }
0xe: {  	s16 =	sadd.s32 $0x4800, s4;
	s15 =	sadd.s32 s13, s8;
	[dreg:$0x9] =	wrdreg s14  }
0xf: {  	s5 =	sadd.s32 $0x200, s1;
	s17 =	sadd.s32 s7, s16;
	[dreg:$0xa] =	wrdreg s15  }
0x10: {  	s19 =	sadd.s32 $0x6000, s4;
	s18 =	sadd.s32 s16, s8;
	[dreg:$0xb] =	wrdreg s17  }
0x11: {  	s22 =	sadd.s32 $0x7800, s4;
	s20 =	sadd.s32 s7, s19;
	[dreg:$0xc] =	wrdreg s18  }
0x12: {  	s25 =	sadd.s32 $0x9000, s4;
	s21 =	sadd.s32 s19, s8;
	[dreg:$0xd] =	wrdreg s20  }
0x13: {  	s4 =	sadd.s32 $0xA800, s4;
	s23 =	sadd.s32 s7, s22;
	[dreg:$0xe] =	wrdreg s21  }
0x14: {  	s24 =	sadd.s32 s22, s8;
	s26 =	sadd.s32 s7, s25;
	[dreg:$0xf] =	wrdreg s23  }
0x15: {  	s28 =	sadd.s32 s25, s8;
	s30 =	sadd.s32 s7, s4;
	[dreg:$0x10] =	wrdreg s24  }
0x16: {  	s31 =	sadd.s32 s4, s8;
	s4 =	sadd.s32 $0x100, s1;
	[dreg:$0x11] =	wrdreg s26  }
0x17: {  	v2 =	vlaneseq.u32;
	s6 =	smax.u32 s0, $0x1;
	s7 =	simm.s32 $0x1;
	[dreg:$0x12] =	wrdreg s28  }
0x18: {  	vm0 =	vmmov $0xffff;
	v1 =	vshrl.u32 v2, $0x3;
	s9 =	simm.s32 $0x1800;
	s10 =	simm.s32 $0x3000;
	[dreg:$0x13] =	wrdreg s30  }
0x19: {  	v0 =	vand.u32 $0x7, v2;
	v2 =	vor.u32 $0x8, v2;
	v1 =	vmul.u32 $0x8, v1;
	s8 =	simm.s32 $0x12200;
	[dreg:$0x14] =	wrdreg s31;
	s11 =	simm.s32 $0x2  }
.LBB2_1:
0x1a: {  	s12 =	rddreg [dreg:$0x4];
	s31 =	simm.s32 $0x3  }
0x1b: {  	[tilespmem:s3], [sflag:$0x3] =	stream.linear.gather [hbm4b:s12+s3], $0x200, $0x38;
	[tilespmem:$0x18200] =	vst v63  }
0x1c: {  	_ =	swait.ge [sflag:s31], $0x200  }
0x1d: {  	[sflag:s31] =	ssyncset.done $0x0  }
0x1e: {  	[sflag:s31] =	ssyncadd.s32 $0xFFFFFE00  }
0x1f: {  	v3 =	vld [tilespmem:$0x0];
	_ =	sdelay $0x4  }
0x20: {  	v4 =	vshrl.u32 v3, $0x3  }
0x21: {  	v4 =	vmul.u32 $0x30, v4  }
0x22: {  	v3 =	vand.u32 $0x7, v3  }
0x23: {  	v3 =	vor.u32 v3, v4  }
0x24: {  	v4 =	vperm.xlane v3, v0;
	_ =	sdelay $0x1  }
0x25: {  	v4 =	vadd.s32 v1, v4;
	_ =	sdelay $0x3  }
0x26: {  	s0 =	simm.s32 $0x200;
	v3 =	vperm.xlane v3, v2  }
0x27: {  	[tilespmem:s0], [sflag:$0x1] =	stream.indirect_vreg.gather [hbm4b:s1+s3], $0x80, v4, vm0, $0xb8;
	[tilespmem:$0x18200] =	vst v63  }
0x28: {  	s2 =	simm.s32 $0xA00;
	v3 =	vadd.s32 v1, v3  }
0x29: {  	[tilespmem:s2], [sflag:$0x1] =	stream.indirect_vreg.gather [hbm4b:s4+s3], $0x80, v4, vm0, $0xb8;
	[tilespmem:$0x18200] =	vst v63  }
0x2a: {  	s0 =	simm.s32 $0x1200  }
0x2b: {  	[tilespmem:s0], [sflag:$0x1] =	stream.indirect_vreg.gather [hbm4b:s5+s3], $0x80, v4, vm0, $0xb8;
	[tilespmem:$0x18200] =	vst v63  }
0x2c: {  	s12 =	simm.s32 $0x1A00  }
0x2d: {  	[tilespmem:s12], [sflag:$0x1] =	stream.indirect_vreg.gather [hbm4b:s1+s3], $0x80, v3, vm0, $0xb8;
	[tilespmem:$0x18200] =	vst v63  }
0x2e: {  	s13 =	simm.s32 $0x2200  }
0x2f: {  	[tilespmem:s13], [sflag:$0x1] =	stream.indirect_vreg.gather [hbm4b:s4+s3], $0x80, v3, vm0, $0xb8;
	[tilespmem:$0x18200] =	vst v63  }
0x30: {  	s14 =	simm.s32 $0x2A00  }
0x31: {  	[tilespmem:s14], [sflag:$0x1] =	stream.indirect_vreg.gather [hbm4b:s5+s3], $0x80, v3, vm0, $0xb8;
	[tilespmem:$0x18200] =	vst v63  }
0x32: {  	v3 =	vld [tilespmem:$0x10];
	_ =	sdelay $0x4  }
0x33: {  	v33 =	vshrl.u32 v3, $0x3  }
0x34: {  	v4 =	vmul.u32 $0x30, v33  }
0x35: {  	v3 =	vand.u32 $0x7, v3  }
0x36: {  	v3 =	vor.u32 v3, v4  }
0x37: {  	v4 =	vperm.xlane v3, v0;
	_ =	sdelay $0x1  }
0x38: {  	v4 =	vadd.s32 v1, v4;
	_ =	sdelay $0x3  }
0x39: {  	s15 =	simm.s32 $0x3200;
	v3 =	vperm.xlane v3, v2  }
0x3a: {  	[tilespmem:s15], [sflag:$0x1] =	stream.indirect_vreg.gather [hbm4b:s1+s3], $0x80, v4, vm0, $0xb8;
	[tilespmem:$0x18200] =	vst v63  }
0x3b: {  	s16 =	simm.s32 $0x3A00;
	v3 =	vadd.s32 v1, v3  }
0x3c: {  	[tilespmem:s16], [sflag:$0x1] =	stream.indirect_vreg.gather [hbm4b:s4+s3], $0x80, v4, vm0, $0xb8;
	[tilespmem:$0x18200] =	vst v63  }
0x3d: {  	s17 =	simm.s32 $0x4200  }
0x3e: {  	[tilespmem:s17], [sflag:$0x1] =	stream.indirect_vreg.gather [hbm4b:s5+s3], $0x80, v4, vm0, $0xb8;
	[tilespmem:$0x18200] =	vst v63  }
0x3f: {  	s18 =	simm.s32 $0x4A00  }
0x40: {  	[tilespmem:s18], [sflag:$0x1] =	stream.indirect_vreg.gather [hbm4b:s1+s3], $0x80, v3, vm0, $0xb8;
	[tilespmem:$0x18200] =	vst v63  }
0x41: {  	s19 =	simm.s32 $0x5200  }
0x42: {  	[tilespmem:s19], [sflag:$0x1] =	stream.indirect_vreg.gather [hbm4b:s4+s3], $0x80, v3, vm0, $0xb8;
	[tilespmem:$0x18200] =	vst v63  }
0x43: {  	s21 =	simm.s32 $0x5A00  }
0x44: {  	[tilespmem:s21], [sflag:$0x1] =	stream.indirect_vreg.gather [hbm4b:s5+s3], $0x80, v3, vm0, $0xb8;
	[tilespmem:$0x18200] =	vst v63  }
0x45: {  	v3 =	vld [tilespmem:$0x20];
	_ =	sdelay $0x4  }
0x46: {  	v34 =	vshrl.u32 v3, $0x3  }
0x47: {  	v4 =	vmul.u32 $0x30, v34  }
0x48: {  	v3 =	vand.u32 $0x7, v3  }
0x49: {  	v3 =	vor.u32 v3, v4  }
0x4a: {  	v4 =	vperm.xlane v3, v0;
	_ =	sdelay $0x1  }
0x4b: {  	v4 =	vadd.s32 v1, v4;
	_ =	sdelay $0x3  }
0x4c: {  	s22 =	simm.s32 $0x6200;
	v3 =	vperm.xlane v3, v2  }
0x4d: {  	[tilespmem:s22], [sflag:$0x1] =	stream.indirect_vreg.gather [hbm4b:s1+s3], $0x80, v4, vm0, $0xb8;
	[tilespmem:$0x18200] =	vst v63  }
0x4e: {  	s23 =	simm.s32 $0x6A00;
	v3 =	vadd.s32 v1, v3  }
0x4f: {  	[tilespmem:s23], [sflag:$0x1] =	stream.indirect_vreg.gather [hbm4b:s4+s3], $0x80, v4, vm0, $0xb8;
	[tilespmem:$0x18200] =	vst v63  }
0x50: {  	s24 =	simm.s32 $0x7200  }
0x51: {  	[tilespmem:s24], [sflag:$0x1] =	stream.indirect_vreg.gather [hbm4b:s5+s3], $0x80, v4, vm0, $0xb8;
	[tilespmem:$0x18200] =	vst v63  }
0x52: {  	s25 =	simm.s32 $0x7A00  }
0x53: {  	[tilespmem:s25], [sflag:$0x1] =	stream.indirect_vreg.gather [hbm4b:s1+s3], $0x80, v3, vm0, $0xb8;
	[tilespmem:$0x18200] =	vst v63  }
0x54: {  	s26 =	simm.s32 $0x8200  }
0x55: {  	[tilespmem:s26], [sflag:$0x1] =	stream.indirect_vreg.gather [hbm4b:s4+s3], $0x80, v3, vm0, $0xb8;
	[tilespmem:$0x18200] =	vst v63  }
0x56: {  	s28 =	simm.s32 $0x8A00  }
0x57: {  	[tilespmem:s28], [sflag:$0x1] =	stream.indirect_vreg.gather [hbm4b:s5+s3], $0x80, v3, vm0, $0xb8;
	[tilespmem:$0x18200] =	vst v63  }
0x58: {  	v3 =	vld [tilespmem:$0x30];
	_ =	sdelay $0x4  }
0x59: {  	v35 =	vshrl.u32 v3, $0x3  }
0x5a: {  	v4 =	vmul.u32 $0x30, v35  }
0x5b: {  	v3 =	vand.u32 $0x7, v3  }
0x5c: {  	v3 =	vor.u32 v3, v4  }
0x5d: {  	v4 =	vperm.xlane v3, v0;
	_ =	sdelay $0x1  }
0x5e: {  	v4 =	vadd.s32 v1, v4;
	_ =	sdelay $0x3  }
0x5f: {  	s29 =	simm.s32 $0x9200;
	v3 =	vperm.xlane v3, v2  }
0x60: {  	[tilespmem:s29], [sflag:$0x1] =	stream.indirect_vreg.gather [hbm4b:s1+s3], $0x80, v4, vm0, $0xb8;
	[tilespmem:$0x18200] =	vst v63  }
0x61: {  	s30 =	simm.s32 $0x9A00;
	v3 =	vadd.s32 v1, v3  }
0x62: {  	[tilespmem:s30], [sflag:$0x1] =	stream.indirect_vreg.gather [hbm4b:s4+s3], $0x80, v4, vm0, $0xb8;
	[tilespmem:$0x18200] =	vst v63  }
0x63: {  	s31 =	simm.s32 $0xA200  }
0x64: {  	[tilespmem:s31], [sflag:$0x1] =	stream.indirect_vreg.gather [hbm4b:s5+s3], $0x80, v4, vm0, $0xb8;
	[tilespmem:$0x18200] =	vst v63  }
0x65: {  	s0 =	simm.s32 $0xAA00  }
0x66: {  	[tilespmem:s0], [sflag:$0x1] =	stream.indirect_vreg.gather [hbm4b:s1+s3], $0x80, v3, vm0, $0xb8;
	[tilespmem:$0x18200] =	vst v63  }
0x67: {  	s12 =	simm.s32 $0xB200  }
0x68: {  	[tilespmem:s12], [sflag:$0x1] =	stream.indirect_vreg.gather [hbm4b:s4+s3], $0x80, v3, vm0, $0xb8;
	[tilespmem:$0x18200] =	vst v63  }
0x69: {  	s13 =	simm.s32 $0xBA00  }
0x6a: {  	[tilespmem:s13], [sflag:$0x1] =	stream.indirect_vreg.gather [hbm4b:s5+s3], $0x80, v3, vm0, $0xb8;
	[tilespmem:$0x18200] =	vst v63  }
0x6b: {  	v3 =	vld [tilespmem:$0x40];
	_ =	sdelay $0x4  }
0x6c: {  	v36 =	vshrl.u32 v3, $0x3  }
0x6d: {  	v4 =	vmul.u32 $0x30, v36  }
0x6e: {  	v3 =	vand.u32 $0x7, v3  }
0x6f: {  	v3 =	vor.u32 v3, v4  }
0x70: {  	v4 =	vperm.xlane v3, v0;
	_ =	sdelay $0x1  }
0x71: {  	v4 =	vadd.s32 v1, v4;
	_ =	sdelay $0x3  }
0x72: {  	s14 =	simm.s32 $0xC200;
	v3 =	vperm.xlane v3, v2  }
0x73: {  	[tilespmem:s14], [sflag:$0x1] =	stream.indirect_vreg.gather [hbm4b:s1+s3], $0x80, v4, vm0, $0xb8;
	[tilespmem:$0x18200] =	vst v63  }
0x74: {  	s19 =	simm.s32 $0xCA00;
	v3 =	vadd.s32 v1, v3  }
0x75: {  	[tilespmem:s19], [sflag:$0x1] =	stream.indirect_vreg.gather [hbm4b:s4+s3], $0x80, v4, vm0, $0xb8;
	[tilespmem:$0x18200] =	vst v63  }
0x76: {  	s21 =	simm.s32 $0xD200  }
0x77: {  	[tilespmem:s21], [sflag:$0x1] =	stream.indirect_vreg.gather [hbm4b:s5+s3], $0x80, v4, vm0, $0xb8;
	[tilespmem:$0x18200] =	vst v63  }
0x78: {  	s22 =	simm.s32 $0xDA00  }
0x79: {  	[tilespmem:s22], [sflag:$0x1] =	stream.indirect_vreg.gather [hbm4b:s1+s3], $0x80, v3, vm0, $0xb8;
	[tilespmem:$0x18200] =	vst v63  }
0x7a: {  	s23 =	simm.s32 $0xE200  }
0x7b: {  	[tilespmem:s23], [sflag:$0x1] =	stream.indirect_vreg.gather [hbm4b:s4+s3], $0x80, v3, vm0, $0xb8;
	[tilespmem:$0x18200] =	vst v63  }
0x7c: {  	s24 =	simm.s32 $0xEA00  }
0x7d: {  	[tilespmem:s24], [sflag:$0x1] =	stream.indirect_vreg.gather [hbm4b:s5+s3], $0x80, v3, vm0, $0xb8;
	[tilespmem:$0x18200] =	vst v63  }
0x7e: {  	v3 =	vld [tilespmem:$0x50];
	_ =	sdelay $0x4  }
0x7f: {  	v37 =	vshrl.u32 v3, $0x3  }
0x80: {  	v4 =	vmul.u32 $0x30, v37  }
0x81: {  	v3 =	vand.u32 $0x7, v3  }
0x82: {  	v3 =	vor.u32 v3, v4  }
0x83: {  	v4 =	vperm.xlane v3, v0;
	_ =	sdelay $0x1  }
0x84: {  	v4 =	vadd.s32 v1, v4;
	_ =	sdelay $0x3  }
0x85: {  	s25 =	simm.s32 $0xF200;
	v3 =	vperm.xlane v3, v2  }
0x86: {  	[tilespmem:s25], [sflag:$0x1] =	stream.indirect_vreg.gather [hbm4b:s1+s3], $0x80, v4, vm0, $0xb8;
	[tilespmem:$0x18200] =	vst v63  }
0x87: {  	s26 =	simm.s32 $0xFA00;
	v3 =	vadd.s32 v1, v3  }
0x88: {  	[tilespmem:s26], [sflag:$0x1] =	stream.indirect_vreg.gather [hbm4b:s4+s3], $0x80, v4, vm0, $0xb8;
	[tilespmem:$0x18200] =	vst v63  }
0x89: {  	s28 =	simm.s32 $0x10200  }
0x8a: {  	[tilespmem:s28], [sflag:$0x1] =	stream.indirect_vreg.gather [hbm4b:s5+s3], $0x80, v4, vm0, $0xb8;
	[tilespmem:$0x18200] =	vst v63  }
0x8b: {  	s29 =	simm.s32 $0x10A00  }
0x8c: {  	[tilespmem:s29], [sflag:$0x1] =	stream.indirect_vreg.gather [hbm4b:s1+s3], $0x80, v3, vm0, $0xb8;
	[tilespmem:$0x18200] =	vst v63  }
0x8d: {  	s30 =	simm.s32 $0x11200  }
0x8e: {  	[tilespmem:s30], [sflag:$0x1] =	stream.indirect_vreg.gather [hbm4b:s4+s3], $0x80, v3, vm0, $0xb8;
	[tilespmem:$0x18200] =	vst v63  }
0x8f: {  	s31 =	simm.s32 $0x11A00  }
0x90: {  	[tilespmem:s31], [sflag:$0x1] =	stream.indirect_vreg.gather [hbm4b:s5+s3], $0x80, v3, vm0, $0xb8;
	[tilespmem:$0x18200] =	vst v63  }
0x91: {  	v3 =	vld [tilespmem:$0x60];
	_ =	sdelay $0x4  }
0x92: {  	v38 =	vshrl.u32 v3, $0x3  }
0x93: {  	v4 =	vmul.u32 $0x30, v38  }
0x94: {  	v3 =	vand.u32 $0x7, v3  }
0x95: {  	v3 =	vor.u32 v3, v4  }
0x96: {  	v4 =	vperm.xlane v3, v0;
	_ =	sdelay $0x1  }
0x97: {  	v4 =	vadd.s32 v1, v4;
	_ =	sdelay $0x3  }
0x98: {  	v3 =	vperm.xlane v3, v2  }
0x99: {  	[tilespmem:s8], [sflag:$0x1] =	stream.indirect_vreg.gather [hbm4b:s1+s3], $0x80, v4, vm0, $0xb8;
	[tilespmem:$0x18200] =	vst v63  }
0x9a: {  	s0 =	simm.s32 $0x12A00;
	v3 =	vadd.s32 v1, v3  }
0x9b: {  	[tilespmem:s0], [sflag:$0x1] =	stream.indirect_vreg.gather [hbm4b:s4+s3], $0x80, v4, vm0, $0xb8;
	[tilespmem:$0x18200] =	vst v63  }
0x9c: {  	s2 =	simm.s32 $0x13200  }
0x9d: {  	[tilespmem:s2], [sflag:$0x1] =	stream.indirect_vreg.gather [hbm4b:s5+s3], $0x80, v4, vm0, $0xb8;
	[tilespmem:$0x18200] =	vst v63  }
0x9e: {  	s13 =	simm.s32 $0x13A00  }
0x9f: {  	[tilespmem:s13], [sflag:$0x1] =	stream.indirect_vreg.gather [hbm4b:s1+s3], $0x80, v3, vm0, $0xb8;
	[tilespmem:$0x18200] =	vst v63  }
0xa0: {  	s19 =	simm.s32 $0x14200  }
0xa1: {  	[tilespmem:s19], [sflag:$0x1] =	stream.indirect_vreg.gather [hbm4b:s4+s3], $0x80, v3, vm0, $0xb8;
	[tilespmem:$0x18200] =	vst v63  }
0xa2: {  	s21 =	simm.s32 $0x14A00  }
0xa3: {  	[tilespmem:s21], [sflag:$0x1] =	stream.indirect_vreg.gather [hbm4b:s5+s3], $0x80, v3, vm0, $0xb8;
	[tilespmem:$0x18200] =	vst v63  }
0xa4: {  	v3 =	vld [tilespmem:$0x70];
	_ =	sdelay $0x4  }
0xa5: {  	v39 =	vshrl.u32 v3, $0x3  }
0xa6: {  	v4 =	vmul.u32 $0x30, v39  }
0xa7: {  	v3 =	vand.u32 $0x7, v3  }
0xa8: {  	v3 =	vor.u32 v3, v4  }
0xa9: {  	v4 =	vperm.xlane v3, v0;
	_ =	sdelay $0x1  }
0xaa: {  	v4 =	vadd.s32 v1, v4;
	_ =	sdelay $0x3  }
0xab: {  	s22 =	simm.s32 $0x15200;
	v3 =	vperm.xlane v3, v2  }
0xac: {  	[tilespmem:s22], [sflag:$0x1] =	stream.indirect_vreg.gather [hbm4b:s1+s3], $0x80, v4, vm0, $0xb8;
	[tilespmem:$0x18200] =	vst v63  }
0xad: {  	s23 =	simm.s32 $0x15A00;
	v3 =	vadd.s32 v1, v3  }
0xae: {  	[tilespmem:s23], [sflag:$0x1] =	stream.indirect_vreg.gather [hbm4b:s4+s3], $0x80, v4, vm0, $0xb8;
	[tilespmem:$0x18200] =	vst v63  }
0xaf: {  	s24 =	simm.s32 $0x16200  }
0xb0: {  	[tilespmem:s24], [sflag:$0x1] =	stream.indirect_vreg.gather [hbm4b:s5+s3], $0x80, v4, vm0, $0xb8;
	[tilespmem:$0x18200] =	vst v63  }
0xb1: {  	s25 =	simm.s32 $0x16A00  }
0xb2: {  	[tilespmem:s25], [sflag:$0x1] =	stream.indirect_vreg.gather [hbm4b:s1+s3], $0x80, v3, vm0, $0xb8;
	[tilespmem:$0x18200] =	vst v63  }
0xb3: {  	s26 =	simm.s32 $0x17200  }
0xb4: {  	[tilespmem:s26], [sflag:$0x1] =	stream.indirect_vreg.gather [hbm4b:s4+s3], $0x80, v3, vm0, $0xb8;
	[tilespmem:$0x18200] =	vst v63  }
0xb5: {  	s28 =	simm.s32 $0x17A00  }
0xb6: {  	[tilespmem:s28], [sflag:$0x1] =	stream.indirect_vreg.gather [hbm4b:s5+s3], $0x80, v3, vm0, $0xb8;
	[tilespmem:$0x18200] =	vst v63  }
0xb7: {  	_ =	swait.ge [sflag:s7], $0xC000  }
0xb8: {  	[sflag:s7] =	ssyncset.done $0x0  }
0xb9: {  	s30 =	simm.s32 $0x200;
	s29 =	rddreg [dreg:$0x5];
	[sflag:s7] =	ssyncadd.s32 $0xFFFF4000  }
0xba: {  	[hbm4b:s29+s9] =	stream.strided.scatter [tilespmem:s30], [sflag:$0x2], $0x6000, s10, s9, $0x38;
	[tilespmem:$0x18200] =	vst v63  }
0xbb: {  	s31 =	simm.s32 $0x6200;
	s13 =	rddreg [dreg:$0x6]  }
0xbc: {  	[hbm4b:s13+s9] =	stream.strided.scatter [tilespmem:s31], [sflag:$0x2], $0x6000, s10, s9, $0x38;
	[tilespmem:$0x18200] =	vst v63  }
0xbd: {  	_ =	swait.ge [sflag:s11], $0x6000  }
0xbe: {  	[sflag:s11] =	ssyncset.done $0x0  }
0xbf: {  	[sflag:s11] =	ssyncadd.s32 $0xFFFFA000  }
0xc0: {  	_ =	swait.ge [sflag:s11], $0x6000  }
0xc1: {  	[sflag:s11] =	ssyncset.done $0x0  }
0xc2: {  	[sflag:s11] =	ssyncadd.s32 $0xFFFFA000  }
0xc3: {  	v3 =	vld [tilespmem:$0x80];
	_ =	sdelay $0x4  }
0xc4: {  	v40 =	vshrl.u32 v3, $0x3  }
0xc5: {  	v4 =	vmul.u32 $0x30, v40  }
0xc6: {  	v3 =	vand.u32 $0x7, v3  }
0xc7: {  	v3 =	vor.u32 v3, v4  }
0xc8: {  	v4 =	vperm.xlane v3, v0;
	_ =	sdelay $0x1  }
0xc9: {  	v4 =	vadd.s32 v1, v4;
	_ =	sdelay $0x3  }
0xca: {  	v3 =	vperm.xlane v3, v2  }
0xcb: {  	[tilespmem:s30], [sflag:$0x1] =	stream.indirect_vreg.gather [hbm4b:s1+s3], $0x80, v4, vm0, $0xb8;
	[tilespmem:$0x18200] =	vst v63  }
0xcc: {  	s19 =	simm.s32 $0xA00;
	v3 =	vadd.s32 v1, v3  }
0xcd: {  	[tilespmem:s19], [sflag:$0x1] =	stream.indirect_vreg.gather [hbm4b:s4+s3], $0x80, v4, vm0, $0xb8;
	[tilespmem:$0x18200] =	vst v63  }
0xce: {  	s21 =	simm.s32 $0x1200  }
0xcf: {  	[tilespmem:s21], [sflag:$0x1] =	stream.indirect_vreg.gather [hbm4b:s5+s3], $0x80, v4, vm0, $0xb8;
	[tilespmem:$0x18200] =	vst v63  }
0xd0: {  	s22 =	simm.s32 $0x1A00  }
0xd1: {  	[tilespmem:s22], [sflag:$0x1] =	stream.indirect_vreg.gather [hbm4b:s1+s3], $0x80, v3, vm0, $0xb8;
	[tilespmem:$0x18200] =	vst v63  }
0xd2: {  	s23 =	simm.s32 $0x2200  }
0xd3: {  	[tilespmem:s23], [sflag:$0x1] =	stream.indirect_vreg.gather [hbm4b:s4+s3], $0x80, v3, vm0, $0xb8;
	[tilespmem:$0x18200] =	vst v63  }
0xd4: {  	s20 =	simm.s32 $0x2A00  }
0xd5: {  	[tilespmem:s20], [sflag:$0x1] =	stream.indirect_vreg.gather [hbm4b:s5+s3], $0x80, v3, vm0, $0xb8;
	[tilespmem:$0x18200] =	vst v63  }
0xd6: {  	v3 =	vld [tilespmem:$0x90];
	_ =	sdelay $0x4  }
0xd7: {  	v41 =	vshrl.u32 v3, $0x3  }
0xd8: {  	v4 =	vmul.u32 $0x30, v41  }
0xd9: {  	v3 =	vand.u32 $0x7, v3  }
0xda: {  	v3 =	vor.u32 v3, v4  }
0xdb: {  	v4 =	vperm.xlane v3, v0;
	_ =	sdelay $0x1  }
0xdc: {  	v4 =	vadd.s32 v1, v4;
	_ =	sdelay $0x3  }
0xdd: {  	s15 =	simm.s32 $0x3200;
	v3 =	vperm.xlane v3, v2  }
0xde: {  	[tilespmem:s15], [sflag:$0x1] =	stream.indirect_vreg.gather [hbm4b:s1+s3], $0x80, v4, vm0, $0xb8;
	[tilespmem:$0x18200] =	vst v63  }
0xdf: {  	s24 =	simm.s32 $0x3A00;
	v3 =	vadd.s32 v1, v3  }
0xe0: {  	[tilespmem:s24], [sflag:$0x1] =	stream.indirect_vreg.gather [hbm4b:s4+s3], $0x80, v4, vm0, $0xb8;
	[tilespmem:$0x18200] =	vst v63  }
0xe1: {  	s25 =	simm.s32 $0x4200  }
0xe2: {  	[tilespmem:s25], [sflag:$0x1] =	stream.indirect_vreg.gather [hbm4b:s5+s3], $0x80, v4, vm0, $0xb8;
	[tilespmem:$0x18200] =	vst v63  }
0xe3: {  	s26 =	simm.s32 $0x4A00  }
0xe4: {  	[tilespmem:s26], [sflag:$0x1] =	stream.indirect_vreg.gather [hbm4b:s1+s3], $0x80, v3, vm0, $0xb8;
	[tilespmem:$0x18200] =	vst v63  }
0xe5: {  	s28 =	simm.s32 $0x5200  }
0xe6: {  	[tilespmem:s28], [sflag:$0x1] =	stream.indirect_vreg.gather [hbm4b:s4+s3], $0x80, v3, vm0, $0xb8;
	[tilespmem:$0x18200] =	vst v63  }
0xe7: {  	s16 =	simm.s32 $0x5A00  }
0xe8: {  	[tilespmem:s16], [sflag:$0x1] =	stream.indirect_vreg.gather [hbm4b:s5+s3], $0x80, v3, vm0, $0xb8;
	[tilespmem:$0x18200] =	vst v63  }
0xe9: {  	v3 =	vld [tilespmem:$0xA0];
	_ =	sdelay $0x4  }
0xea: {  	v42 =	vshrl.u32 v3, $0x3  }
0xeb: {  	v4 =	vmul.u32 $0x30, v42  }
0xec: {  	v3 =	vand.u32 $0x7, v3  }
0xed: {  	v3 =	vor.u32 v3, v4  }
0xee: {  	v4 =	vperm.xlane v3, v0;
	_ =	sdelay $0x1  }
0xef: {  	v4 =	vadd.s32 v1, v4;
	_ =	sdelay $0x3  }
0xf0: {  	v3 =	vperm.xlane v3, v2  }
0xf1: {  	[tilespmem:s31], [sflag:$0x1] =	stream.indirect_vreg.gather [hbm4b:s1+s3], $0x80, v4, vm0, $0xb8;
	[tilespmem:$0x18200] =	vst v63  }
0xf2: {  	s29 =	simm.s32 $0x6A00;
	v3 =	vadd.s32 v1, v3  }
0xf3: {  	[tilespmem:s29], [sflag:$0x1] =	stream.indirect_vreg.gather [hbm4b:s4+s3], $0x80, v4, vm0, $0xb8;
	[tilespmem:$0x18200] =	vst v63  }
0xf4: {  	s30 =	simm.s32 $0x7200  }
0xf5: {  	[tilespmem:s30], [sflag:$0x1] =	stream.indirect_vreg.gather [hbm4b:s5+s3], $0x80, v4, vm0, $0xb8;
	[tilespmem:$0x18200] =	vst v63  }
0xf6: {  	s31 =	simm.s32 $0x7A00  }
0xf7: {  	[tilespmem:s31], [sflag:$0x1] =	stream.indirect_vreg.gather [hbm4b:s1+s3], $0x80, v3, vm0, $0xb8;
	[tilespmem:$0x18200] =	vst v63  }
0xf8: {  	s12 =	simm.s32 $0x8200  }
0xf9: {  	[tilespmem:s12], [sflag:$0x1] =	stream.indirect_vreg.gather [hbm4b:s4+s3], $0x80, v3, vm0, $0xb8;
	[tilespmem:$0x18200] =	vst v63  }
0xfa: {  	s17 =	simm.s32 $0x8A00  }
0xfb: {  	[tilespmem:s17], [sflag:$0x1] =	stream.indirect_vreg.gather [hbm4b:s5+s3], $0x80, v3, vm0, $0xb8;
	[tilespmem:$0x18200] =	vst v63  }
0xfc: {  	v3 =	vld [tilespmem:$0xB0];
	_ =	sdelay $0x4  }
0xfd: {  	v43 =	vshrl.u32 v3, $0x3  }
0xfe: {  	v4 =	vmul.u32 $0x30, v43  }
0xff: {  	v3 =	vand.u32 $0x7, v3  }
0x100: {  	v3 =	vor.u32 v3, v4  }
0x101: {  	v4 =	vperm.xlane v3, v0;
	_ =	sdelay $0x1  }
0x102: {  	v4 =	vadd.s32 v1, v4;
	_ =	sdelay $0x3  }
0x103: {  	s18 =	simm.s32 $0x9200;
	v3 =	vperm.xlane v3, v2  }
0x104: {  	[tilespmem:s18], [sflag:$0x1] =	stream.indirect_vreg.gather [hbm4b:s1+s3], $0x80, v4, vm0, $0xb8;
	[tilespmem:$0x18200] =	vst v63  }
0x105: {  	s15 =	simm.s32 $0x9A00;
	v3 =	vadd.s32 v1, v3  }
0x106: {  	[tilespmem:s15], [sflag:$0x1] =	stream.indirect_vreg.gather [hbm4b:s4+s3], $0x80, v4, vm0, $0xb8;
	[tilespmem:$0x18200] =	vst v63  }
0x107: {  	s16 =	simm.s32 $0xA200  }
0x108: {  	[tilespmem:s16], [sflag:$0x1] =	stream.indirect_vreg.gather [hbm4b:s5+s3], $0x80, v4, vm0, $0xb8;
	[tilespmem:$0x18200] =	vst v63  }
0x109: {  	s17 =	simm.s32 $0xAA00  }
0x10a: {  	[tilespmem:s17], [sflag:$0x1] =	stream.indirect_vreg.gather [hbm4b:s1+s3], $0x80, v3, vm0, $0xb8;
	[tilespmem:$0x18200] =	vst v63  }
0x10b: {  	s18 =	simm.s32 $0xB200  }
0x10c: {  	[tilespmem:s18], [sflag:$0x1] =	stream.indirect_vreg.gather [hbm4b:s4+s3], $0x80, v3, vm0, $0xb8;
	[tilespmem:$0x18200] =	vst v63  }
0x10d: {  	s20 =	simm.s32 $0xBA00  }
0x10e: {  	[tilespmem:s20], [sflag:$0x1] =	stream.indirect_vreg.gather [hbm4b:s5+s3], $0x80, v3, vm0, $0xb8;
	[tilespmem:$0x18200] =	vst v63  }
0x10f: {  	_ =	swait.ge [sflag:s7], $0xC000  }
0x110: {  	[sflag:s7] =	ssyncset.done $0x0  }
0x111: {  	s14 =	simm.s32 $0xC200;
	s13 =	rddreg [dreg:$0x7];
	[sflag:s7] =	ssyncadd.s32 $0xFFFF4000  }
0x112: {  	[hbm4b:s13+s9] =	stream.strided.scatter [tilespmem:s14], [sflag:$0x2], $0x6000, s10, s9, $0x38;
	[tilespmem:$0x18200] =	vst v63  }
0x113: {  	s0 =	rddreg [dreg:$0x8]  }
0x114: {  	[hbm4b:s0+s9] =	stream.strided.scatter [tilespmem:s8], [sflag:$0x2], $0x6000, s10, s9, $0x38;
	[tilespmem:$0x18200] =	vst v63  }
0x115: {  	_ =	swait.ge [sflag:s11], $0x6000  }
0x116: {  	[sflag:s11] =	ssyncset.done $0x0  }
0x117: {  	[sflag:s11] =	ssyncadd.s32 $0xFFFFA000  }
0x118: {  	_ =	swait.ge [sflag:s11], $0x6000  }
0x119: {  	[sflag:s11] =	ssyncset.done $0x0  }
0x11a: {  	[sflag:s11] =	ssyncadd.s32 $0xFFFFA000  }
0x11b: {  	v3 =	vld [tilespmem:$0xC0];
	_ =	sdelay $0x4  }
0x11c: {  	v44 =	vshrl.u32 v3, $0x3  }
0x11d: {  	v4 =	vmul.u32 $0x30, v44  }
0x11e: {  	v3 =	vand.u32 $0x7, v3  }
0x11f: {  	v3 =	vor.u32 v3, v4  }
0x120: {  	v4 =	vperm.xlane v3, v0;
	_ =	sdelay $0x1  }
0x121: {  	v4 =	vadd.s32 v1, v4;
	_ =	sdelay $0x3  }
0x122: {  	v3 =	vperm.xlane v3, v2  }
0x123: {  	[tilespmem:s14], [sflag:$0x1] =	stream.indirect_vreg.gather [hbm4b:s1+s3], $0x80, v4, vm0, $0xb8;
	[tilespmem:$0x18200] =	vst v63  }
0x124: {  	s12 =	simm.s32 $0xCA00;
	v3 =	vadd.s32 v1, v3  }
0x125: {  	[tilespmem:s12], [sflag:$0x1] =	stream.indirect_vreg.gather [hbm4b:s4+s3], $0x80, v4, vm0, $0xb8;
	[tilespmem:$0x18200] =	vst v63  }
0x126: {  	s13 =	simm.s32 $0xD200  }
0x127: {  	[tilespmem:s13], [sflag:$0x1] =	stream.indirect_vreg.gather [hbm4b:s5+s3], $0x80, v4, vm0, $0xb8;
	[tilespmem:$0x18200] =	vst v63  }
0x128: {  	s14 =	simm.s32 $0xDA00  }
0x129: {  	[tilespmem:s14], [sflag:$0x1] =	stream.indirect_vreg.gather [hbm4b:s1+s3], $0x80, v3, vm0, $0xb8;
	[tilespmem:$0x18200] =	vst v63  }
0x12a: {  	s12 =	simm.s32 $0xE200  }
0x12b: {  	[tilespmem:s12], [sflag:$0x1] =	stream.indirect_vreg.gather [hbm4b:s4+s3], $0x80, v3, vm0, $0xb8;
	[tilespmem:$0x18200] =	vst v63  }
0x12c: {  	s13 =	simm.s32 $0xEA00  }
0x12d: {  	[tilespmem:s13], [sflag:$0x1] =	stream.indirect_vreg.gather [hbm4b:s5+s3], $0x80, v3, vm0, $0xb8;
	[tilespmem:$0x18200] =	vst v63  }
0x12e: {  	v3 =	vld [tilespmem:$0xD0];
	_ =	sdelay $0x4  }
0x12f: {  	v45 =	vshrl.u32 v3, $0x3  }
0x130: {  	v4 =	vmul.u32 $0x30, v45  }
0x131: {  	v3 =	vand.u32 $0x7, v3  }
0x132: {  	v3 =	vor.u32 v3, v4  }
0x133: {  	v4 =	vperm.xlane v3, v0;
	_ =	sdelay $0x1  }
0x134: {  	v4 =	vadd.s32 v1, v4;
	_ =	sdelay $0x3  }
0x135: {  	s14 =	simm.s32 $0xF200;
	v3 =	vperm.xlane v3, v2  }
0x136: {  	[tilespmem:s14], [sflag:$0x1] =	stream.indirect_vreg.gather [hbm4b:s1+s3], $0x80, v4, vm0, $0xb8;
	[tilespmem:$0x18200] =	vst v63  }
0x137: {  	s12 =	simm.s32 $0xFA00;
	v3 =	vadd.s32 v1, v3  }
0x138: {  	[tilespmem:s12], [sflag:$0x1] =	stream.indirect_vreg.gather [hbm4b:s4+s3], $0x80, v4, vm0, $0xb8;
	[tilespmem:$0x18200] =	vst v63  }
0x139: {  	s13 =	simm.s32 $0x10200  }
0x13a: {  	[tilespmem:s13], [sflag:$0x1] =	stream.indirect_vreg.gather [hbm4b:s5+s3], $0x80, v4, vm0, $0xb8;
	[tilespmem:$0x18200] =	vst v63  }
0x13b: {  	s14 =	simm.s32 $0x10A00  }
0x13c: {  	[tilespmem:s14], [sflag:$0x1] =	stream.indirect_vreg.gather [hbm4b:s1+s3], $0x80, v3, vm0, $0xb8;
	[tilespmem:$0x18200] =	vst v63  }
0x13d: {  	s12 =	simm.s32 $0x11200  }
0x13e: {  	[tilespmem:s12], [sflag:$0x1] =	stream.indirect_vreg.gather [hbm4b:s4+s3], $0x80, v3, vm0, $0xb8;
	[tilespmem:$0x18200] =	vst v63  }
0x13f: {  	s13 =	simm.s32 $0x11A00  }
0x140: {  	[tilespmem:s13], [sflag:$0x1] =	stream.indirect_vreg.gather [hbm4b:s5+s3], $0x80, v3, vm0, $0xb8;
	[tilespmem:$0x18200] =	vst v63  }
0x141: {  	v3 =	vld [tilespmem:$0xE0];
	_ =	sdelay $0x4  }
0x142: {  	v46 =	vshrl.u32 v3, $0x3  }
0x143: {  	v4 =	vmul.u32 $0x30, v46  }
0x144: {  	v3 =	vand.u32 $0x7, v3  }
0x145: {  	v3 =	vor.u32 v3, v4  }
0x146: {  	v4 =	vperm.xlane v3, v0;
	_ =	sdelay $0x1  }
0x147: {  	v4 =	vadd.s32 v1, v4;
	_ =	sdelay $0x3  }
0x148: {  	v3 =	vperm.xlane v3, v2  }
0x149: {  	[tilespmem:s8], [sflag:$0x1] =	stream.indirect_vreg.gather [hbm4b:s1+s3], $0x80, v4, vm0, $0xb8;
	[tilespmem:$0x18200] =	vst v63  }
0x14a: {  	s14 =	simm.s32 $0x12A00;
	v3 =	vadd.s32 v1, v3  }
0x14b: {  	[tilespmem:s14], [sflag:$0x1] =	stream.indirect_vreg.gather [hbm4b:s4+s3], $0x80, v4, vm0, $0xb8;
	[tilespmem:$0x18200] =	vst v63  }
0x14c: {  	s12 =	simm.s32 $0x13200  }
0x14d: {  	[tilespmem:s12], [sflag:$0x1] =	stream.indirect_vreg.gather [hbm4b:s5+s3], $0x80, v4, vm0, $0xb8;
	[tilespmem:$0x18200] =	vst v63  }
0x14e: {  	s13 =	simm.s32 $0x13A00  }
0x14f: {  	[tilespmem:s13], [sflag:$0x1] =	stream.indirect_vreg.gather [hbm4b:s1+s3], $0x80, v3, vm0, $0xb8;
	[tilespmem:$0x18200] =	vst v63  }
0x150: {  	s14 =	simm.s32 $0x14200  }
0x151: {  	[tilespmem:s14], [sflag:$0x1] =	stream.indirect_vreg.gather [hbm4b:s4+s3], $0x80, v3, vm0, $0xb8;
	[tilespmem:$0x18200] =	vst v63  }
0x152: {  	s12 =	simm.s32 $0x14A00  }
0x153: {  	[tilespmem:s12], [sflag:$0x1] =	stream.indirect_vreg.gather [hbm4b:s5+s3], $0x80, v3, vm0, $0xb8;
	[tilespmem:$0x18200] =	vst v63  }
0x154: {  	v3 =	vld [tilespmem:$0xF0];
	_ =	sdelay $0x4  }
0x155: {  	v47 =	vshrl.u32 v3, $0x3  }
0x156: {  	v4 =	vmul.u32 $0x30, v47  }
0x157: {  	v3 =	vand.u32 $0x7, v3  }
0x158: {  	v3 =	vor.u32 v3, v4  }
0x159: {  	v4 =	vperm.xlane v3, v0;
	_ =	sdelay $0x1  }
0x15a: {  	v4 =	vadd.s32 v1, v4;
	_ =	sdelay $0x3  }
0x15b: {  	s13 =	simm.s32 $0x15200;
	v3 =	vperm.xlane v3, v2  }
0x15c: {  	[tilespmem:s13], [sflag:$0x1] =	stream.indirect_vreg.gather [hbm4b:s1+s3], $0x80, v4, vm0, $0xb8;
	[tilespmem:$0x18200] =	vst v63  }
0x15d: {  	s14 =	simm.s32 $0x15A00;
	v3 =	vadd.s32 v1, v3  }
0x15e: {  	[tilespmem:s14], [sflag:$0x1] =	stream.indirect_vreg.gather [hbm4b:s4+s3], $0x80, v4, vm0, $0xb8;
	[tilespmem:$0x18200] =	vst v63  }
0x15f: {  	s12 =	simm.s32 $0x16200  }
0x160: {  	[tilespmem:s12], [sflag:$0x1] =	stream.indirect_vreg.gather [hbm4b:s5+s3], $0x80, v4, vm0, $0xb8;
	[tilespmem:$0x18200] =	vst v63  }
0x161: {  	s13 =	simm.s32 $0x16A00  }
0x162: {  	[tilespmem:s13], [sflag:$0x1] =	stream.indirect_vreg.gather [hbm4b:s1+s3], $0x80, v3, vm0, $0xb8;
	[tilespmem:$0x18200] =	vst v63  }
0x163: {  	s14 =	simm.s32 $0x17200  }
0x164: {  	[tilespmem:s14], [sflag:$0x1] =	stream.indirect_vreg.gather [hbm4b:s4+s3], $0x80, v3, vm0, $0xb8;
	[tilespmem:$0x18200] =	vst v63  }
0x165: {  	s12 =	simm.s32 $0x17A00  }
0x166: {  	[tilespmem:s12], [sflag:$0x1] =	stream.indirect_vreg.gather [hbm4b:s5+s3], $0x80, v3, vm0, $0xb8;
	[tilespmem:$0x18200] =	vst v63  }
0x167: {  	_ =	swait.ge [sflag:s7], $0xC000  }
0x168: {  	[sflag:s7] =	ssyncset.done $0x0  }
0x169: {  	s14 =	simm.s32 $0x200;
	s13 =	rddreg [dreg:$0x9];
	[sflag:s7] =	ssyncadd.s32 $0xFFFF4000  }
0x16a: {  	[hbm4b:s13+s9] =	stream.strided.scatter [tilespmem:s14], [sflag:$0x2], $0x6000, s10, s9, $0x38;
	[tilespmem:$0x18200] =	vst v63  }
0x16b: {  	s2 =	simm.s32 $0x6200;
	s0 =	rddreg [dreg:$0xa]  }
0x16c: {  	[hbm4b:s0+s9] =	stream.strided.scatter [tilespmem:s2], [sflag:$0x2], $0x6000, s10, s9, $0x38;
	[tilespmem:$0x18200] =	vst v63  }
0x16d: {  	_ =	swait.ge [sflag:s11], $0x6000  }
0x16e: {  	[sflag:s11] =	ssyncset.done $0x0  }
0x16f: {  	[sflag:s11] =	ssyncadd.s32 $0xFFFFA000  }
0x170: {  	_ =	swait.ge [sflag:s11], $0x6000  }
0x171: {  	[sflag:s11] =	ssyncset.done $0x0  }
0x172: {  	[sflag:s11] =	ssyncadd.s32 $0xFFFFA000  }
0x173: {  	v3 =	vld [tilespmem:$0x100];
	_ =	sdelay $0x4  }
0x174: {  	v48 =	vshrl.u32 v3, $0x3  }
0x175: {  	v4 =	vmul.u32 $0x30, v48  }
0x176: {  	v3 =	vand.u32 $0x7, v3  }
0x177: {  	v3 =	vor.u32 v3, v4  }
0x178: {  	v4 =	vperm.xlane v3, v0;
	_ =	sdelay $0x1  }
0x179: {  	v4 =	vadd.s32 v1, v4;
	_ =	sdelay $0x3  }
0x17a: {  	v3 =	vperm.xlane v3, v2  }
0x17b: {  	[tilespmem:s14], [sflag:$0x1] =	stream.indirect_vreg.gather [hbm4b:s1+s3], $0x80, v4, vm0, $0xb8;
	[tilespmem:$0x18200] =	vst v63  }
0x17c: {  	v3 =	vadd.s32 v1, v3  }
0x17d: {  	[tilespmem:s19], [sflag:$0x1] =	stream.indirect_vreg.gather [hbm4b:s4+s3], $0x80, v4, vm0, $0xb8;
	[tilespmem:$0x18200] =	vst v63  }
0x17e: {  	_ = 	snop  }
0x17f: {  	[tilespmem:s21], [sflag:$0x1] =	stream.indirect_vreg.gather [hbm4b:s5+s3], $0x80, v4, vm0, $0xb8;
	[tilespmem:$0x18200] =	vst v63  }
0x180: {  	_ = 	snop  }
0x181: {  	[tilespmem:s22], [sflag:$0x1] =	stream.indirect_vreg.gather [hbm4b:s1+s3], $0x80, v3, vm0, $0xb8;
	[tilespmem:$0x18200] =	vst v63  }
0x182: {  	_ = 	snop  }
0x183: {  	[tilespmem:s23], [sflag:$0x1] =	stream.indirect_vreg.gather [hbm4b:s4+s3], $0x80, v3, vm0, $0xb8;
	[tilespmem:$0x18200] =	vst v63  }
0x184: {  	s19 =	simm.s32 $0x2A00  }
0x185: {  	[tilespmem:s19], [sflag:$0x1] =	stream.indirect_vreg.gather [hbm4b:s5+s3], $0x80, v3, vm0, $0xb8;
	[tilespmem:$0x18200] =	vst v63  }
0x186: {  	v3 =	vld [tilespmem:$0x110];
	_ =	sdelay $0x4  }
0x187: {  	v49 =	vshrl.u32 v3, $0x3  }
0x188: {  	v4 =	vmul.u32 $0x30, v49  }
0x189: {  	v3 =	vand.u32 $0x7, v3  }
0x18a: {  	v3 =	vor.u32 v3, v4  }
0x18b: {  	v4 =	vperm.xlane v3, v0;
	_ =	sdelay $0x1  }
0x18c: {  	v4 =	vadd.s32 v1, v4;
	_ =	sdelay $0x3  }
0x18d: {  	s23 =	simm.s32 $0x3200;
	v3 =	vperm.xlane v3, v2  }
0x18e: {  	[tilespmem:s23], [sflag:$0x1] =	stream.indirect_vreg.gather [hbm4b:s1+s3], $0x80, v4, vm0, $0xb8;
	[tilespmem:$0x18200] =	vst v63  }
0x18f: {  	v3 =	vadd.s32 v1, v3  }
0x190: {  	[tilespmem:s24], [sflag:$0x1] =	stream.indirect_vreg.gather [hbm4b:s4+s3], $0x80, v4, vm0, $0xb8;
	[tilespmem:$0x18200] =	vst v63  }
0x191: {  	_ = 	snop  }
0x192: {  	[tilespmem:s25], [sflag:$0x1] =	stream.indirect_vreg.gather [hbm4b:s5+s3], $0x80, v4, vm0, $0xb8;
	[tilespmem:$0x18200] =	vst v63  }
0x193: {  	_ = 	snop  }
0x194: {  	[tilespmem:s26], [sflag:$0x1] =	stream.indirect_vreg.gather [hbm4b:s1+s3], $0x80, v3, vm0, $0xb8;
	[tilespmem:$0x18200] =	vst v63  }
0x195: {  	_ = 	snop  }
0x196: {  	[tilespmem:s28], [sflag:$0x1] =	stream.indirect_vreg.gather [hbm4b:s4+s3], $0x80, v3, vm0, $0xb8;
	[tilespmem:$0x18200] =	vst v63  }
0x197: {  	s28 =	simm.s32 $0x5A00  }
0x198: {  	[tilespmem:s28], [sflag:$0x1] =	stream.indirect_vreg.gather [hbm4b:s5+s3], $0x80, v3, vm0, $0xb8;
	[tilespmem:$0x18200] =	vst v63  }
0x199: {  	v3 =	vld [tilespmem:$0x120];
	_ =	sdelay $0x4  }
0x19a: {  	v50 =	vshrl.u32 v3, $0x3  }
0x19b: {  	v4 =	vmul.u32 $0x30, v50  }
0x19c: {  	v3 =	vand.u32 $0x7, v3  }
0x19d: {  	v3 =	vor.u32 v3, v4  }
0x19e: {  	v4 =	vperm.xlane v3, v0;
	_ =	sdelay $0x1  }
0x19f: {  	v4 =	vadd.s32 v1, v4;
	_ =	sdelay $0x3  }
0x1a0: {  	v3 =	vperm.xlane v3, v2  }
0x1a1: {  	[tilespmem:s2], [sflag:$0x1] =	stream.indirect_vreg.gather [hbm4b:s1+s3], $0x80, v4, vm0, $0xb8;
	[tilespmem:$0x18200] =	vst v63  }
0x1a2: {  	v3 =	vadd.s32 v1, v3  }
0x1a3: {  	[tilespmem:s29], [sflag:$0x1] =	stream.indirect_vreg.gather [hbm4b:s4+s3], $0x80, v4, vm0, $0xb8;
	[tilespmem:$0x18200] =	vst v63  }
0x1a4: {  	_ = 	snop  }
0x1a5: {  	[tilespmem:s30], [sflag:$0x1] =	stream.indirect_vreg.gather [hbm4b:s5+s3], $0x80, v4, vm0, $0xb8;
	[tilespmem:$0x18200] =	vst v63  }
0x1a6: {  	_ = 	snop  }
0x1a7: {  	[tilespmem:s31], [sflag:$0x1] =	stream.indirect_vreg.gather [hbm4b:s1+s3], $0x80, v3, vm0, $0xb8;
	[tilespmem:$0x18200] =	vst v63  }
0x1a8: {  	s12 =	simm.s32 $0x8200  }
0x1a9: {  	[tilespmem:s12], [sflag:$0x1] =	stream.indirect_vreg.gather [hbm4b:s4+s3], $0x80, v3, vm0, $0xb8;
	[tilespmem:$0x18200] =	vst v63  }
0x1aa: {  	s13 =	simm.s32 $0x8A00  }
0x1ab: {  	[tilespmem:s13], [sflag:$0x1] =	stream.indirect_vreg.gather [hbm4b:s5+s3], $0x80, v3, vm0, $0xb8;
	[tilespmem:$0x18200] =	vst v63  }
0x1ac: {  	v3 =	vld [tilespmem:$0x130];
	_ =	sdelay $0x4  }
0x1ad: {  	v51 =	vshrl.u32 v3, $0x3  }
0x1ae: {  	v4 =	vmul.u32 $0x30, v51  }
0x1af: {  	v3 =	vand.u32 $0x7, v3  }
0x1b0: {  	v3 =	vor.u32 v3, v4  }
0x1b1: {  	v4 =	vperm.xlane v3, v0;
	_ =	sdelay $0x1  }
0x1b2: {  	v4 =	vadd.s32 v1, v4;
	_ =	sdelay $0x3  }
0x1b3: {  	s19 =	simm.s32 $0x9200;
	v3 =	vperm.xlane v3, v2  }
0x1b4: {  	[tilespmem:s19], [sflag:$0x1] =	stream.indirect_vreg.gather [hbm4b:s1+s3], $0x80, v4, vm0, $0xb8;
	[tilespmem:$0x18200] =	vst v63  }
0x1b5: {  	v3 =	vadd.s32 v1, v3  }
0x1b6: {  	[tilespmem:s15], [sflag:$0x1] =	stream.indirect_vreg.gather [hbm4b:s4+s3], $0x80, v4, vm0, $0xb8;
	[tilespmem:$0x18200] =	vst v63  }
0x1b7: {  	_ = 	snop  }
0x1b8: {  	[tilespmem:s16], [sflag:$0x1] =	stream.indirect_vreg.gather [hbm4b:s5+s3], $0x80, v4, vm0, $0xb8;
	[tilespmem:$0x18200] =	vst v63  }
0x1b9: {  	_ = 	snop  }
0x1ba: {  	[tilespmem:s17], [sflag:$0x1] =	stream.indirect_vreg.gather [hbm4b:s1+s3], $0x80, v3, vm0, $0xb8;
	[tilespmem:$0x18200] =	vst v63  }
0x1bb: {  	_ = 	snop  }
0x1bc: {  	[tilespmem:s18], [sflag:$0x1] =	stream.indirect_vreg.gather [hbm4b:s4+s3], $0x80, v3, vm0, $0xb8;
	[tilespmem:$0x18200] =	vst v63  }
0x1bd: {  	_ = 	snop  }
0x1be: {  	[tilespmem:s20], [sflag:$0x1] =	stream.indirect_vreg.gather [hbm4b:s5+s3], $0x80, v3, vm0, $0xb8;
	[tilespmem:$0x18200] =	vst v63  }
0x1bf: {  	_ =	swait.ge [sflag:s7], $0xC000  }
0x1c0: {  	[sflag:s7] =	ssyncset.done $0x0  }
0x1c1: {  	s2 =	simm.s32 $0xC200;
	s31 =	rddreg [dreg:$0xb];
	[sflag:s7] =	ssyncadd.s32 $0xFFFF4000  }
0x1c2: {  	[hbm4b:s31+s9] =	stream.strided.scatter [tilespmem:s2], [sflag:$0x2], $0x6000, s10, s9, $0x38;
	[tilespmem:$0x18200] =	vst v63  }
0x1c3: {  	s0 =	rddreg [dreg:$0xc]  }
0x1c4: {  	[hbm4b:s0+s9] =	stream.strided.scatter [tilespmem:s8], [sflag:$0x2], $0x6000, s10, s9, $0x38;
	[tilespmem:$0x18200] =	vst v63  }
0x1c5: {  	_ =	swait.ge [sflag:s11], $0x6000  }
0x1c6: {  	[sflag:s11] =	ssyncset.done $0x0  }
0x1c7: {  	[sflag:s11] =	ssyncadd.s32 $0xFFFFA000  }
0x1c8: {  	_ =	swait.ge [sflag:s11], $0x6000  }
0x1c9: {  	[sflag:s11] =	ssyncset.done $0x0  }
0x1ca: {  	[sflag:s11] =	ssyncadd.s32 $0xFFFFA000  }
0x1cb: {  	v3 =	vld [tilespmem:$0x140];
	_ =	sdelay $0x4  }
0x1cc: {  	v52 =	vshrl.u32 v3, $0x3  }
0x1cd: {  	v4 =	vmul.u32 $0x30, v52  }
0x1ce: {  	v3 =	vand.u32 $0x7, v3  }
0x1cf: {  	v3 =	vor.u32 v3, v4  }
0x1d0: {  	v4 =	vperm.xlane v3, v0;
	_ =	sdelay $0x1  }
0x1d1: {  	v4 =	vadd.s32 v1, v4;
	_ =	sdelay $0x3  }
0x1d2: {  	v3 =	vperm.xlane v3, v2  }
0x1d3: {  	[tilespmem:s2], [sflag:$0x1] =	stream.indirect_vreg.gather [hbm4b:s1+s3], $0x80, v4, vm0, $0xb8;
	[tilespmem:$0x18200] =	vst v63  }
0x1d4: {  	s19 =	simm.s32 $0xCA00;
	v3 =	vadd.s32 v1, v3  }
0x1d5: {  	[tilespmem:s19], [sflag:$0x1] =	stream.indirect_vreg.gather [hbm4b:s4+s3], $0x80, v4, vm0, $0xb8;
	[tilespmem:$0x18200] =	vst v63  }
0x1d6: {  	s31 =	simm.s32 $0xD200  }
0x1d7: {  	[tilespmem:s31], [sflag:$0x1] =	stream.indirect_vreg.gather [hbm4b:s5+s3], $0x80, v4, vm0, $0xb8;
	[tilespmem:$0x18200] =	vst v63  }
0x1d8: {  	s0 =	simm.s32 $0xDA00  }
0x1d9: {  	[tilespmem:s0], [sflag:$0x1] =	stream.indirect_vreg.gather [hbm4b:s1+s3], $0x80, v3, vm0, $0xb8;
	[tilespmem:$0x18200] =	vst v63  }
0x1da: {  	s13 =	simm.s32 $0xE200  }
0x1db: {  	[tilespmem:s13], [sflag:$0x1] =	stream.indirect_vreg.gather [hbm4b:s4+s3], $0x80, v3, vm0, $0xb8;
	[tilespmem:$0x18200] =	vst v63  }
0x1dc: {  	s2 =	simm.s32 $0xEA00  }
0x1dd: {  	[tilespmem:s2], [sflag:$0x1] =	stream.indirect_vreg.gather [hbm4b:s5+s3], $0x80, v3, vm0, $0xb8;
	[tilespmem:$0x18200] =	vst v63  }
0x1de: {  	v3 =	vld [tilespmem:$0x150];
	_ =	sdelay $0x4  }
0x1df: {  	v53 =	vshrl.u32 v3, $0x3  }
0x1e0: {  	v4 =	vmul.u32 $0x30, v53  }
0x1e1: {  	v3 =	vand.u32 $0x7, v3  }
0x1e2: {  	v3 =	vor.u32 v3, v4  }
0x1e3: {  	v4 =	vperm.xlane v3, v0;
	_ =	sdelay $0x1  }
0x1e4: {  	v4 =	vadd.s32 v1, v4;
	_ =	sdelay $0x3  }
0x1e5: {  	s13 =	simm.s32 $0xF200;
	v3 =	vperm.xlane v3, v2  }
0x1e6: {  	[tilespmem:s13], [sflag:$0x1] =	stream.indirect_vreg.gather [hbm4b:s1+s3], $0x80, v4, vm0, $0xb8;
	[tilespmem:$0x18200] =	vst v63  }
0x1e7: {  	s2 =	simm.s32 $0xFA00;
	v3 =	vadd.s32 v1, v3  }
0x1e8: {  	[tilespmem:s2], [sflag:$0x1] =	stream.indirect_vreg.gather [hbm4b:s4+s3], $0x80, v4, vm0, $0xb8;
	[tilespmem:$0x18200] =	vst v63  }
0x1e9: {  	s13 =	simm.s32 $0x10200  }
0x1ea: {  	[tilespmem:s13], [sflag:$0x1] =	stream.indirect_vreg.gather [hbm4b:s5+s3], $0x80, v4, vm0, $0xb8;
	[tilespmem:$0x18200] =	vst v63  }
0x1eb: {  	s2 =	simm.s32 $0x10A00  }
0x1ec: {  	[tilespmem:s2], [sflag:$0x1] =	stream.indirect_vreg.gather [hbm4b:s1+s3], $0x80, v3, vm0, $0xb8;
	[tilespmem:$0x18200] =	vst v63  }
0x1ed: {  	s13 =	simm.s32 $0x11200  }
0x1ee: {  	[tilespmem:s13], [sflag:$0x1] =	stream.indirect_vreg.gather [hbm4b:s4+s3], $0x80, v3, vm0, $0xb8;
	[tilespmem:$0x18200] =	vst v63  }
0x1ef: {  	s2 =	simm.s32 $0x11A00  }
0x1f0: {  	[tilespmem:s2], [sflag:$0x1] =	stream.indirect_vreg.gather [hbm4b:s5+s3], $0x80, v3, vm0, $0xb8;
	[tilespmem:$0x18200] =	vst v63  }
0x1f1: {  	v3 =	vld [tilespmem:$0x160];
	_ =	sdelay $0x4  }
0x1f2: {  	v54 =	vshrl.u32 v3, $0x3  }
0x1f3: {  	v4 =	vmul.u32 $0x30, v54  }
0x1f4: {  	v3 =	vand.u32 $0x7, v3  }
0x1f5: {  	v3 =	vor.u32 v3, v4  }
0x1f6: {  	v4 =	vperm.xlane v3, v0;
	_ =	sdelay $0x1  }
0x1f7: {  	v4 =	vadd.s32 v1, v4;
	_ =	sdelay $0x3  }
0x1f8: {  	v3 =	vperm.xlane v3, v2  }
0x1f9: {  	[tilespmem:s8], [sflag:$0x1] =	stream.indirect_vreg.gather [hbm4b:s1+s3], $0x80, v4, vm0, $0xb8;
	[tilespmem:$0x18200] =	vst v63  }
0x1fa: {  	s13 =	simm.s32 $0x12A00;
	v3 =	vadd.s32 v1, v3  }
0x1fb: {  	[tilespmem:s13], [sflag:$0x1] =	stream.indirect_vreg.gather [hbm4b:s4+s3], $0x80, v4, vm0, $0xb8;
	[tilespmem:$0x18200] =	vst v63  }
0x1fc: {  	s2 =	simm.s32 $0x13200  }
0x1fd: {  	[tilespmem:s2], [sflag:$0x1] =	stream.indirect_vreg.gather [hbm4b:s5+s3], $0x80, v4, vm0, $0xb8;
	[tilespmem:$0x18200] =	vst v63  }
0x1fe: {  	s13 =	simm.s32 $0x13A00  }
0x1ff: {  	[tilespmem:s13], [sflag:$0x1] =	stream.indirect_vreg.gather [hbm4b:s1+s3], $0x80, v3, vm0, $0xb8;
	[tilespmem:$0x18200] =	vst v63  }
0x200: {  	s2 =	simm.s32 $0x14200  }
0x201: {  	[tilespmem:s2], [sflag:$0x1] =	stream.indirect_vreg.gather [hbm4b:s4+s3], $0x80, v3, vm0, $0xb8;
	[tilespmem:$0x18200] =	vst v63  }
0x202: {  	s13 =	simm.s32 $0x14A00  }
0x203: {  	[tilespmem:s13], [sflag:$0x1] =	stream.indirect_vreg.gather [hbm4b:s5+s3], $0x80, v3, vm0, $0xb8;
	[tilespmem:$0x18200] =	vst v63  }
0x204: {  	v3 =	vld [tilespmem:$0x170];
	_ =	sdelay $0x4  }
0x205: {  	v55 =	vshrl.u32 v3, $0x3  }
0x206: {  	v4 =	vmul.u32 $0x30, v55  }
0x207: {  	v3 =	vand.u32 $0x7, v3  }
0x208: {  	v3 =	vor.u32 v3, v4  }
0x209: {  	v4 =	vperm.xlane v3, v0;
	_ =	sdelay $0x1  }
0x20a: {  	v4 =	vadd.s32 v1, v4;
	_ =	sdelay $0x3  }
0x20b: {  	s2 =	simm.s32 $0x15200;
	v3 =	vperm.xlane v3, v2  }
0x20c: {  	[tilespmem:s2], [sflag:$0x1] =	stream.indirect_vreg.gather [hbm4b:s1+s3], $0x80, v4, vm0, $0xb8;
	[tilespmem:$0x18200] =	vst v63  }
0x20d: {  	s13 =	simm.s32 $0x15A00;
	v3 =	vadd.s32 v1, v3  }
0x20e: {  	[tilespmem:s13], [sflag:$0x1] =	stream.indirect_vreg.gather [hbm4b:s4+s3], $0x80, v4, vm0, $0xb8;
	[tilespmem:$0x18200] =	vst v63  }
0x20f: {  	s2 =	simm.s32 $0x16200  }
0x210: {  	[tilespmem:s2], [sflag:$0x1] =	stream.indirect_vreg.gather [hbm4b:s5+s3], $0x80, v4, vm0, $0xb8;
	[tilespmem:$0x18200] =	vst v63  }
0x211: {  	s13 =	simm.s32 $0x16A00  }
0x212: {  	[tilespmem:s13], [sflag:$0x1] =	stream.indirect_vreg.gather [hbm4b:s1+s3], $0x80, v3, vm0, $0xb8;
	[tilespmem:$0x18200] =	vst v63  }
0x213: {  	s2 =	simm.s32 $0x17200  }
0x214: {  	[tilespmem:s2], [sflag:$0x1] =	stream.indirect_vreg.gather [hbm4b:s4+s3], $0x80, v3, vm0, $0xb8;
	[tilespmem:$0x18200] =	vst v63  }
0x215: {  	s13 =	simm.s32 $0x17A00  }
0x216: {  	[tilespmem:s13], [sflag:$0x1] =	stream.indirect_vreg.gather [hbm4b:s5+s3], $0x80, v3, vm0, $0xb8;
	[tilespmem:$0x18200] =	vst v63  }
0x217: {  	_ =	swait.ge [sflag:s7], $0xC000  }
0x218: {  	[sflag:s7] =	ssyncset.done $0x0  }
0x219: {  	s2 =	simm.s32 $0x200;
	s12 =	rddreg [dreg:$0xd];
	[sflag:s7] =	ssyncadd.s32 $0xFFFF4000  }
0x21a: {  	[hbm4b:s12+s9] =	stream.strided.scatter [tilespmem:s2], [sflag:$0x2], $0x6000, s10, s9, $0x38;
	[tilespmem:$0x18200] =	vst v63  }
0x21b: {  	s13 =	rddreg [dreg:$0xe];
	s12 =	simm.s32 $0x6200  }
0x21c: {  	[hbm4b:s13+s9] =	stream.strided.scatter [tilespmem:s12], [sflag:$0x2], $0x6000, s10, s9, $0x38;
	[tilespmem:$0x18200] =	vst v63  }
0x21d: {  	_ =	swait.ge [sflag:s11], $0x6000  }
0x21e: {  	[sflag:s11] =	ssyncset.done $0x0  }
0x21f: {  	[sflag:s11] =	ssyncadd.s32 $0xFFFFA000  }
0x220: {  	_ =	swait.ge [sflag:s11], $0x6000  }
0x221: {  	[sflag:s11] =	ssyncset.done $0x0  }
0x222: {  	[sflag:s11] =	ssyncadd.s32 $0xFFFFA000  }
0x223: {  	v3 =	vld [tilespmem:$0x180];
	_ =	sdelay $0x4  }
0x224: {  	v56 =	vshrl.u32 v3, $0x3  }
0x225: {  	v4 =	vmul.u32 $0x30, v56  }
0x226: {  	v3 =	vand.u32 $0x7, v3  }
0x227: {  	v3 =	vor.u32 v3, v4  }
0x228: {  	v4 =	vperm.xlane v3, v0;
	_ =	sdelay $0x1  }
0x229: {  	v4 =	vadd.s32 v1, v4;
	_ =	sdelay $0x3  }
0x22a: {  	v3 =	vperm.xlane v3, v2  }
0x22b: {  	[tilespmem:s2], [sflag:$0x1] =	stream.indirect_vreg.gather [hbm4b:s1+s3], $0x80, v4, vm0, $0xb8;
	[tilespmem:$0x18200] =	vst v63  }
0x22c: {  	s13 =	simm.s32 $0xA00;
	v3 =	vadd.s32 v1, v3  }
0x22d: {  	[tilespmem:s13], [sflag:$0x1] =	stream.indirect_vreg.gather [hbm4b:s4+s3], $0x80, v4, vm0, $0xb8;
	[tilespmem:$0x18200] =	vst v63  }
0x22e: {  	s13 =	simm.s32 $0x1200  }
0x22f: {  	[tilespmem:s13], [sflag:$0x1] =	stream.indirect_vreg.gather [hbm4b:s5+s3], $0x80, v4, vm0, $0xb8;
	[tilespmem:$0x18200] =	vst v63  }
0x230: {  	s21 =	simm.s32 $0x1A00  }
0x231: {  	[tilespmem:s21], [sflag:$0x1] =	stream.indirect_vreg.gather [hbm4b:s1+s3], $0x80, v3, vm0, $0xb8;
	[tilespmem:$0x18200] =	vst v63  }
0x232: {  	s22 =	simm.s32 $0x2200  }
0x233: {  	[tilespmem:s22], [sflag:$0x1] =	stream.indirect_vreg.gather [hbm4b:s4+s3], $0x80, v3, vm0, $0xb8;
	[tilespmem:$0x18200] =	vst v63  }
0x234: {  	s21 =	simm.s32 $0x2A00  }
0x235: {  	[tilespmem:s21], [sflag:$0x1] =	stream.indirect_vreg.gather [hbm4b:s5+s3], $0x80, v3, vm0, $0xb8;
	[tilespmem:$0x18200] =	vst v63  }
0x236: {  	v3 =	vld [tilespmem:$0x190];
	_ =	sdelay $0x4  }
0x237: {  	v57 =	vshrl.u32 v3, $0x3  }
0x238: {  	v4 =	vmul.u32 $0x30, v57  }
0x239: {  	v3 =	vand.u32 $0x7, v3  }
0x23a: {  	v3 =	vor.u32 v3, v4  }
0x23b: {  	v4 =	vperm.xlane v3, v0;
	_ =	sdelay $0x1  }
0x23c: {  	v4 =	vadd.s32 v1, v4;
	_ =	sdelay $0x3  }
0x23d: {  	s22 =	simm.s32 $0x3200;
	v3 =	vperm.xlane v3, v2  }
0x23e: {  	[tilespmem:s22], [sflag:$0x1] =	stream.indirect_vreg.gather [hbm4b:s1+s3], $0x80, v4, vm0, $0xb8;
	[tilespmem:$0x18200] =	vst v63  }
0x23f: {  	s23 =	simm.s32 $0x3A00;
	v3 =	vadd.s32 v1, v3  }
0x240: {  	[tilespmem:s23], [sflag:$0x1] =	stream.indirect_vreg.gather [hbm4b:s4+s3], $0x80, v4, vm0, $0xb8;
	[tilespmem:$0x18200] =	vst v63  }
0x241: {  	s24 =	simm.s32 $0x4200  }
0x242: {  	[tilespmem:s24], [sflag:$0x1] =	stream.indirect_vreg.gather [hbm4b:s5+s3], $0x80, v4, vm0, $0xb8;
	[tilespmem:$0x18200] =	vst v63  }
0x243: {  	s25 =	simm.s32 $0x4A00  }
0x244: {  	[tilespmem:s25], [sflag:$0x1] =	stream.indirect_vreg.gather [hbm4b:s1+s3], $0x80, v3, vm0, $0xb8;
	[tilespmem:$0x18200] =	vst v63  }
0x245: {  	s26 =	simm.s32 $0x5200  }
0x246: {  	[tilespmem:s26], [sflag:$0x1] =	stream.indirect_vreg.gather [hbm4b:s4+s3], $0x80, v3, vm0, $0xb8;
	[tilespmem:$0x18200] =	vst v63  }
0x247: {  	s26 =	simm.s32 $0x5A00  }
0x248: {  	[tilespmem:s26], [sflag:$0x1] =	stream.indirect_vreg.gather [hbm4b:s5+s3], $0x80, v3, vm0, $0xb8;
	[tilespmem:$0x18200] =	vst v63  }
0x249: {  	v3 =	vld [tilespmem:$0x1A0];
	_ =	sdelay $0x4  }
0x24a: {  	v58 =	vshrl.u32 v3, $0x3  }
0x24b: {  	v4 =	vmul.u32 $0x30, v58  }
0x24c: {  	v3 =	vand.u32 $0x7, v3  }
0x24d: {  	v3 =	vor.u32 v3, v4  }
0x24e: {  	v4 =	vperm.xlane v3, v0;
	_ =	sdelay $0x1  }
0x24f: {  	v4 =	vadd.s32 v1, v4;
	_ =	sdelay $0x3  }
0x250: {  	v3 =	vperm.xlane v3, v2  }
0x251: {  	[tilespmem:s12], [sflag:$0x1] =	stream.indirect_vreg.gather [hbm4b:s1+s3], $0x80, v4, vm0, $0xb8;
	[tilespmem:$0x18200] =	vst v63  }
0x252: {  	s28 =	simm.s32 $0x6A00;
	v3 =	vadd.s32 v1, v3  }
0x253: {  	[tilespmem:s28], [sflag:$0x1] =	stream.indirect_vreg.gather [hbm4b:s4+s3], $0x80, v4, vm0, $0xb8;
	[tilespmem:$0x18200] =	vst v63  }
0x254: {  	s29 =	simm.s32 $0x7200  }
0x255: {  	[tilespmem:s29], [sflag:$0x1] =	stream.indirect_vreg.gather [hbm4b:s5+s3], $0x80, v4, vm0, $0xb8;
	[tilespmem:$0x18200] =	vst v63  }
0x256: {  	s30 =	simm.s32 $0x7A00  }
0x257: {  	[tilespmem:s30], [sflag:$0x1] =	stream.indirect_vreg.gather [hbm4b:s1+s3], $0x80, v3, vm0, $0xb8;
	[tilespmem:$0x18200] =	vst v63  }
0x258: {  	s14 =	simm.s32 $0x8200  }
0x259: {  	[tilespmem:s14], [sflag:$0x1] =	stream.indirect_vreg.gather [hbm4b:s4+s3], $0x80, v3, vm0, $0xb8;
	[tilespmem:$0x18200] =	vst v63  }
0x25a: {  	s13 =	simm.s32 $0x8A00  }
0x25b: {  	[tilespmem:s13], [sflag:$0x1] =	stream.indirect_vreg.gather [hbm4b:s5+s3], $0x80, v3, vm0, $0xb8;
	[tilespmem:$0x18200] =	vst v63  }
0x25c: {  	v3 =	vld [tilespmem:$0x1B0];
	_ =	sdelay $0x4  }
0x25d: {  	v59 =	vshrl.u32 v3, $0x3  }
0x25e: {  	v4 =	vmul.u32 $0x30, v59  }
0x25f: {  	v3 =	vand.u32 $0x7, v3  }
0x260: {  	v3 =	vor.u32 v3, v4  }
0x261: {  	v4 =	vperm.xlane v3, v0;
	_ =	sdelay $0x1  }
0x262: {  	v4 =	vadd.s32 v1, v4;
	_ =	sdelay $0x3  }
0x263: {  	s14 =	simm.s32 $0x9200;
	v3 =	vperm.xlane v3, v2  }
0x264: {  	[tilespmem:s14], [sflag:$0x1] =	stream.indirect_vreg.gather [hbm4b:s1+s3], $0x80, v4, vm0, $0xb8;
	[tilespmem:$0x18200] =	vst v63  }
0x265: {  	s15 =	simm.s32 $0x9A00;
	v3 =	vadd.s32 v1, v3  }
0x266: {  	[tilespmem:s15], [sflag:$0x1] =	stream.indirect_vreg.gather [hbm4b:s4+s3], $0x80, v4, vm0, $0xb8;
	[tilespmem:$0x18200] =	vst v63  }
0x267: {  	s16 =	simm.s32 $0xA200  }
0x268: {  	[tilespmem:s16], [sflag:$0x1] =	stream.indirect_vreg.gather [hbm4b:s5+s3], $0x80, v4, vm0, $0xb8;
	[tilespmem:$0x18200] =	vst v63  }
0x269: {  	s17 =	simm.s32 $0xAA00  }
0x26a: {  	[tilespmem:s17], [sflag:$0x1] =	stream.indirect_vreg.gather [hbm4b:s1+s3], $0x80, v3, vm0, $0xb8;
	[tilespmem:$0x18200] =	vst v63  }
0x26b: {  	s18 =	simm.s32 $0xB200  }
0x26c: {  	[tilespmem:s18], [sflag:$0x1] =	stream.indirect_vreg.gather [hbm4b:s4+s3], $0x80, v3, vm0, $0xb8;
	[tilespmem:$0x18200] =	vst v63  }
0x26d: {  	s22 =	simm.s32 $0xBA00  }
0x26e: {  	[tilespmem:s22], [sflag:$0x1] =	stream.indirect_vreg.gather [hbm4b:s5+s3], $0x80, v3, vm0, $0xb8;
	[tilespmem:$0x18200] =	vst v63  }
0x26f: {  	_ =	swait.ge [sflag:s7], $0xC000  }
0x270: {  	[sflag:s7] =	ssyncset.done $0x0  }
0x271: {  	s20 =	simm.s32 $0xC200;
	s23 =	rddreg [dreg:$0xf];
	[sflag:s7] =	ssyncadd.s32 $0xFFFF4000  }
0x272: {  	[hbm4b:s23+s9] =	stream.strided.scatter [tilespmem:s20], [sflag:$0x2], $0x6000, s10, s9, $0x38;
	[tilespmem:$0x18200] =	vst v63  }
0x273: {  	s24 =	rddreg [dreg:$0x10]  }
0x274: {  	[hbm4b:s24+s9] =	stream.strided.scatter [tilespmem:s8], [sflag:$0x2], $0x6000, s10, s9, $0x38;
	[tilespmem:$0x18200] =	vst v63  }
0x275: {  	_ =	swait.ge [sflag:s11], $0x6000  }
0x276: {  	[sflag:s11] =	ssyncset.done $0x0  }
0x277: {  	[sflag:s11] =	ssyncadd.s32 $0xFFFFA000  }
0x278: {  	_ =	swait.ge [sflag:s11], $0x6000  }
0x279: {  	[sflag:s11] =	ssyncset.done $0x0  }
0x27a: {  	[sflag:s11] =	ssyncadd.s32 $0xFFFFA000  }
0x27b: {  	v3 =	vld [tilespmem:$0x1C0];
	_ =	sdelay $0x4  }
0x27c: {  	v60 =	vshrl.u32 v3, $0x3  }
0x27d: {  	v4 =	vmul.u32 $0x30, v60  }
0x27e: {  	v3 =	vand.u32 $0x7, v3  }
0x27f: {  	v3 =	vor.u32 v3, v4  }
0x280: {  	v4 =	vperm.xlane v3, v0;
	_ =	sdelay $0x1  }
0x281: {  	v4 =	vadd.s32 v1, v4;
	_ =	sdelay $0x3  }
0x282: {  	v3 =	vperm.xlane v3, v2  }
0x283: {  	[tilespmem:s20], [sflag:$0x1] =	stream.indirect_vreg.gather [hbm4b:s1+s3], $0x80, v4, vm0, $0xb8;
	[tilespmem:$0x18200] =	vst v63  }
0x284: {  	v3 =	vadd.s32 v1, v3  }
0x285: {  	[tilespmem:s19], [sflag:$0x1] =	stream.indirect_vreg.gather [hbm4b:s4+s3], $0x80, v4, vm0, $0xb8;
	[tilespmem:$0x18200] =	vst v63  }
0x286: {  	_ = 	snop  }
0x287: {  	[tilespmem:s31], [sflag:$0x1] =	stream.indirect_vreg.gather [hbm4b:s5+s3], $0x80, v4, vm0, $0xb8;
	[tilespmem:$0x18200] =	vst v63  }
0x288: {  	_ = 	snop  }
0x289: {  	[tilespmem:s0], [sflag:$0x1] =	stream.indirect_vreg.gather [hbm4b:s1+s3], $0x80, v3, vm0, $0xb8;
	[tilespmem:$0x18200] =	vst v63  }
0x28a: {  	s25 =	simm.s32 $0xE200  }
0x28b: {  	[tilespmem:s25], [sflag:$0x1] =	stream.indirect_vreg.gather [hbm4b:s4+s3], $0x80, v3, vm0, $0xb8;
	[tilespmem:$0x18200] =	vst v63  }
0x28c: {  	s26 =	simm.s32 $0xEA00  }
0x28d: {  	[tilespmem:s26], [sflag:$0x1] =	stream.indirect_vreg.gather [hbm4b:s5+s3], $0x80, v3, vm0, $0xb8;
	[tilespmem:$0x18200] =	vst v63  }
0x28e: {  	v3 =	vld [tilespmem:$0x1D0];
	_ =	sdelay $0x4  }
0x28f: {  	v61 =	vshrl.u32 v3, $0x3  }
0x290: {  	v4 =	vmul.u32 $0x30, v61  }
0x291: {  	v3 =	vand.u32 $0x7, v3  }
0x292: {  	v3 =	vor.u32 v3, v4  }
0x293: {  	v4 =	vperm.xlane v3, v0;
	_ =	sdelay $0x1  }
0x294: {  	v4 =	vadd.s32 v1, v4;
	_ =	sdelay $0x3  }
0x295: {  	s28 =	simm.s32 $0xF200;
	v3 =	vperm.xlane v3, v2  }
0x296: {  	[tilespmem:s28], [sflag:$0x1] =	stream.indirect_vreg.gather [hbm4b:s1+s3], $0x80, v4, vm0, $0xb8;
	[tilespmem:$0x18200] =	vst v63  }
0x297: {  	s29 =	simm.s32 $0xFA00;
	v3 =	vadd.s32 v1, v3  }
0x298: {  	[tilespmem:s29], [sflag:$0x1] =	stream.indirect_vreg.gather [hbm4b:s4+s3], $0x80, v4, vm0, $0xb8;
	[tilespmem:$0x18200] =	vst v63  }
0x299: {  	s30 =	simm.s32 $0x10200  }
0x29a: {  	[tilespmem:s30], [sflag:$0x1] =	stream.indirect_vreg.gather [hbm4b:s5+s3], $0x80, v4, vm0, $0xb8;
	[tilespmem:$0x18200] =	vst v63  }
0x29b: {  	s31 =	simm.s32 $0x10A00  }
0x29c: {  	[tilespmem:s31], [sflag:$0x1] =	stream.indirect_vreg.gather [hbm4b:s1+s3], $0x80, v3, vm0, $0xb8;
	[tilespmem:$0x18200] =	vst v63  }
0x29d: {  	s12 =	simm.s32 $0x11200  }
0x29e: {  	[tilespmem:s12], [sflag:$0x1] =	stream.indirect_vreg.gather [hbm4b:s4+s3], $0x80, v3, vm0, $0xb8;
	[tilespmem:$0x18200] =	vst v63  }
0x29f: {  	s13 =	simm.s32 $0x11A00  }
0x2a0: {  	[tilespmem:s13], [sflag:$0x1] =	stream.indirect_vreg.gather [hbm4b:s5+s3], $0x80, v3, vm0, $0xb8;
	[tilespmem:$0x18200] =	vst v63  }
0x2a1: {  	v3 =	vld [tilespmem:$0x1E0];
	_ =	sdelay $0x4  }
0x2a2: {  	v62 =	vshrl.u32 v3, $0x3  }
0x2a3: {  	v4 =	vmul.u32 $0x30, v62  }
0x2a4: {  	v3 =	vand.u32 $0x7, v3  }
0x2a5: {  	v3 =	vor.u32 v3, v4  }
0x2a6: {  	v4 =	vperm.xlane v3, v0;
	_ =	sdelay $0x1  }
0x2a7: {  	v4 =	vadd.s32 v1, v4;
	_ =	sdelay $0x3  }
0x2a8: {  	v3 =	vperm.xlane v3, v2  }
0x2a9: {  	[tilespmem:s8], [sflag:$0x1] =	stream.indirect_vreg.gather [hbm4b:s1+s3], $0x80, v4, vm0, $0xb8;
	[tilespmem:$0x18200] =	vst v63  }
0x2aa: {  	s14 =	simm.s32 $0x12A00;
	v3 =	vadd.s32 v1, v3  }
0x2ab: {  	[tilespmem:s14], [sflag:$0x1] =	stream.indirect_vreg.gather [hbm4b:s4+s3], $0x80, v4, vm0, $0xb8;
	[tilespmem:$0x18200] =	vst v63  }
0x2ac: {  	s15 =	simm.s32 $0x13200  }
0x2ad: {  	[tilespmem:s15], [sflag:$0x1] =	stream.indirect_vreg.gather [hbm4b:s5+s3], $0x80, v4, vm0, $0xb8;
	[tilespmem:$0x18200] =	vst v63  }
0x2ae: {  	s16 =	simm.s32 $0x13A00  }
0x2af: {  	[tilespmem:s16], [sflag:$0x1] =	stream.indirect_vreg.gather [hbm4b:s1+s3], $0x80, v3, vm0, $0xb8;
	[tilespmem:$0x18200] =	vst v63  }
0x2b0: {  	s17 =	simm.s32 $0x14200  }
0x2b1: {  	[tilespmem:s17], [sflag:$0x1] =	stream.indirect_vreg.gather [hbm4b:s4+s3], $0x80, v3, vm0, $0xb8;
	[tilespmem:$0x18200] =	vst v63  }
0x2b2: {  	s18 =	simm.s32 $0x14A00  }
0x2b3: {  	[tilespmem:s18], [sflag:$0x1] =	stream.indirect_vreg.gather [hbm4b:s5+s3], $0x80, v3, vm0, $0xb8;
	[tilespmem:$0x18200] =	vst v63  }
0x2b4: {  	v3 =	vld [tilespmem:$0x1F0];
	_ =	sdelay $0x4  }
0x2b5: {  	v63 =	vshrl.u32 v3, $0x3  }
0x2b6: {  	v4 =	vmul.u32 $0x30, v63  }
0x2b7: {  	v3 =	vand.u32 $0x7, v3  }
0x2b8: {  	v3 =	vor.u32 v3, v4  }
0x2b9: {  	v4 =	vperm.xlane v3, v0;
	_ =	sdelay $0x1  }
0x2ba: {  	v4 =	vadd.s32 v1, v4;
	_ =	sdelay $0x3  }
0x2bb: {  	s19 =	simm.s32 $0x15200;
	v3 =	vperm.xlane v3, v2  }
0x2bc: {  	[tilespmem:s19], [sflag:$0x1] =	stream.indirect_vreg.gather [hbm4b:s1+s3], $0x80, v4, vm0, $0xb8;
	[tilespmem:$0x18200] =	vst v63  }
0x2bd: {  	s22 =	simm.s32 $0x15A00;
	v3 =	vadd.s32 v1, v3  }
0x2be: {  	[tilespmem:s22], [sflag:$0x1] =	stream.indirect_vreg.gather [hbm4b:s4+s3], $0x80, v4, vm0, $0xb8;
	[tilespmem:$0x18200] =	vst v63  }
0x2bf: {  	s23 =	simm.s32 $0x16200  }
0x2c0: {  	[tilespmem:s23], [sflag:$0x1] =	stream.indirect_vreg.gather [hbm4b:s5+s3], $0x80, v4, vm0, $0xb8;
	[tilespmem:$0x18200] =	vst v63  }
0x2c1: {  	s24 =	simm.s32 $0x16A00  }
0x2c2: {  	[tilespmem:s24], [sflag:$0x1] =	stream.indirect_vreg.gather [hbm4b:s1+s3], $0x80, v3, vm0, $0xb8;
	[tilespmem:$0x18200] =	vst v63  }
0x2c3: {  	s25 =	simm.s32 $0x17200  }
0x2c4: {  	[tilespmem:s25], [sflag:$0x1] =	stream.indirect_vreg.gather [hbm4b:s4+s3], $0x80, v3, vm0, $0xb8;
	[tilespmem:$0x18200] =	vst v63  }
0x2c5: {  	s26 =	simm.s32 $0x17A00  }
0x2c6: {  	[tilespmem:s26], [sflag:$0x1] =	stream.indirect_vreg.gather [hbm4b:s5+s3], $0x80, v3, vm0, $0xb8;
	[tilespmem:$0x18200] =	vst v63  }
0x2c7: {  	_ =	swait.ge [sflag:s7], $0xC000  }
0x2c8: {  	[sflag:s7] =	ssyncset.done $0x0  }
0x2c9: {  	s2 =	simm.s32 $0x200;
	s28 =	rddreg [dreg:$0x11];
	[sflag:s7] =	ssyncadd.s32 $0xFFFF4000  }
0x2ca: {  	[hbm4b:s28+s9] =	stream.strided.scatter [tilespmem:s2], [sflag:$0x2], $0x6000, s10, s9, $0x38;
	[tilespmem:$0x18200] =	vst v63  }
0x2cb: {  	s21 =	simm.s32 $0x6200;
	s29 =	rddreg [dreg:$0x12]  }
0x2cc: {  	[hbm4b:s29+s9] =	stream.strided.scatter [tilespmem:s21], [sflag:$0x2], $0x6000, s10, s9, $0x38;
	[tilespmem:$0x18200] =	vst v63  }
0x2cd: {  	_ =	swait.ge [sflag:s7], $0xC000  }
0x2ce: {  	[sflag:s7] =	ssyncset.done $0x0  }
0x2cf: {  	s30 =	rddreg [dreg:$0x13];
	[sflag:s7] =	ssyncadd.s32 $0xFFFF4000  }
0x2d0: {  	[hbm4b:s30+s9] =	stream.strided.scatter [tilespmem:s20], [sflag:$0x2], $0x6000, s10, s9, $0x38;
	[tilespmem:$0x18200] =	vst v63  }
0x2d1: {  	s31 =	rddreg [dreg:$0x14]  }
0x2d2: {  	[hbm4b:s31+s9] =	stream.strided.scatter [tilespmem:s8], [sflag:$0x2], $0x6000, s10, s9, $0x38;
	[tilespmem:$0x18200] =	vst v63  }
0x2d3: {  	_ =	swait.ge [sflag:s11], $0x6000  }
0x2d4: {  	[sflag:s11] =	ssyncset.done $0x0  }
0x2d5: {  	[sflag:s11] =	ssyncadd.s32 $0xFFFFA000  }
0x2d6: {  	_ =	swait.ge [sflag:s11], $0x6000  }
0x2d7: {  	[sflag:s11] =	ssyncset.done $0x0  }
0x2d8: {  	[sflag:s11] =	ssyncadd.s32 $0xFFFFA000  }
0x2d9: {  	p0 =	sne.s32 s6, $0x1;
	_ =	swait.ge [sflag:s11], $0x6000  }
.Ltmp0:
0x2da: {  	[sflag:s11] =	ssyncset.done $0x0;
	(pc) =	sbr.rel @p0 .LBB2_1-.Ltmp0, $4  }
0x2db: {  	[sflag:s11] =	ssyncadd.s32 $0xFFFFA000  }
0x2dc: {  	_ =	swait.ge [sflag:s11], $0x6000  }
0x2dd: {  	[sflag:s11] =	ssyncset.done $0x0  }
0x2de: {  	s6 =	sadd.s32 $0xFFFFFFFF, s6;
	[sflag:s11] =	ssyncadd.s32 $0xFFFFA000  }
0x2df: {  	_ =	sfence.sel $0x180000  }
0x2e0: {  	[bflag:$0x0] =	sbarrier.arrive $0xFFFF  }
0x2e1: {  	_ =	strace $0x90000047  }
0x2e2: {  	s0 =	stileid.u32;
	[bflag:$0x2] =	sbarrier.arrive $0xFFFF  }
0x2e3: {  	p0 =	sne.s32 s0, $0x0;
	s0 =	rddreg [dreg:$0x3]  }
0x2e4: {  	s0 =	sadd.s32 @!p0 $0x100000, s0  }
0x2e5: {  	[sflag:s0] =	ssyncadd.tile.s32 @!p0 $0x1;
	_ =	shalt  }
.Lfunc_end2:
_tile_overlayer_lowered:
.L_overlay_start_2:
0x2e6: {  	(tag) =	ssettag $0x2  }
0x2e7: {  	s0 =	rddreg [dreg:$0x0];
	s2 =	stileid.u32  }
0x2e8: {  	s1 =	rddreg [dreg:$0x1];
	p0 =	sne.s32 s2, $0x0  }
0x2e9: {  	s3 =	rddreg [dreg:$0x2];
	[bflag:$0x3] =	sbarrier.arrive $0xFFFF;
	s2 =	simm.s32 @!p0 $0x1C03  }
0x2ea: {  	[timem:s3], [sflag:s2] =	dma.local @!p0 [hbm:s0], s1  }
0x2eb: {  	s0 =	simm.s32 @!p0 $0x3  }
0x2ec: {  	_ =	swait.ge @!p0 [sflag:s0], s1  }
0x2ed: {  	s1 =	ssub.s32 @!p0 $0x0, s1;
	[sflag:s0] =	ssyncset.done @!p0 $0x0  }
0x2ee: {  	[sflag:s0] =	ssyncadd.s32 @!p0 s1  }
0x2ef: {  	[bflag:$0x3] =	sbarrier.arrive $0xFFFF  }
0x2f0: {  	_ =	shalt  }

</sc_bundles>
